<compile_context>
chip_gen: v7x
topology: tpu7x:2x2x1
jax: 0.10.2.dev20260603
libtpu: 0.0.44.dev20260713+nightly
codegen_flags: <defaults>
</compile_context>

<pallas_src>
import functools

import jax
import jax.numpy as jnp
from jax import lax
from jax.experimental import pallas as pl
from jax.experimental.pallas import tpu as pltpu
from jax.experimental.pallas import tpu_sc as plsc

B = 16384
F = 32
NC = 2
NS = 16
NW = NC * NS
BPW = B // NW
CHUNK = 128
NCHUNK = BPW // CHUNK


def _gmf_body(ut_hbm, it_hbm, uidx_hbm, iidx_hbm, aux_hbm, out_hbm,
              uidx_v, iidx_v, urows, irows, aux_v, out_v, sem):
    wid = lax.axis_index("s") * NC + lax.axis_index("c")

    pltpu.sync_copy(uidx_hbm.at[wid], uidx_v)
    pltpu.sync_copy(iidx_hbm.at[wid], iidx_v)
    pltpu.sync_copy(aux_hbm, aux_v)

    copies = []
    for c in range(NCHUNK):
        dst = urows.at[pl.ds(c * CHUNK, CHUNK)]
        copies.append(pltpu.async_copy(ut_hbm.at[uidx_v.at[c]], dst, sem))
        dst = irows.at[pl.ds(c * CHUNK, CHUNK)]
        copies.append(pltpu.async_copy(it_hbm.at[iidx_v.at[c]], dst, sem))
    for cp in copies:
        cp.wait()

    lane = lax.iota(jnp.int32, 16)
    bvec = aux_v[F]

    @pl.loop(0, BPW // 16)
    def _group(g):
        ridx = g * 16 + lane
        acc = bvec
        for f in range(F):
            cf = jnp.full((16,), f, jnp.int32)
            u = plsc.load_gather(urows, [ridx, cf])
            it = plsc.load_gather(irows, [ridx, cf])
            acc = acc + aux_v[f] * u * it
        y = 1.0 / (1.0 + jnp.exp(-acc))
        out_v[pl.ds(g * 16, 16)] = y

    pltpu.sync_copy(out_v, out_hbm.at[pl.ds(wid * BPW, BPW)])


@jax.jit
def _gmf_sc(user_table, item_table, uidx, iidx, aux):
    mesh = plsc.VectorSubcoreMesh(core_axis_name="c", subcore_axis_name="s")
    fn = pl.kernel(
        _gmf_body,
        out_type=jax.ShapeDtypeStruct((B,), jnp.float32),
        mesh=mesh,
        scratch_types=[
            pltpu.VMEM((NCHUNK, CHUNK), jnp.int32),
            pltpu.VMEM((NCHUNK, CHUNK), jnp.int32),
            pltpu.VMEM((BPW, F), jnp.float32),
            pltpu.VMEM((BPW, F), jnp.float32),
            pltpu.VMEM((F + 1, 16), jnp.float32),
            pltpu.VMEM((BPW,), jnp.float32),
            pltpu.SemaphoreType.DMA,
        ],
        compiler_params=pltpu.CompilerParams(
            needs_layout_passes=False, use_tc_tiling_on_sc=False),
    )
    return fn(user_table, item_table, uidx, iidx, aux)


def kernel(users, items, user_table, item_table, predict_w, predict_b):
    uidx = users.astype(jnp.int32).reshape(NW, NCHUNK, CHUNK)
    iidx = items.astype(jnp.int32).reshape(NW, NCHUNK, CHUNK)
    w_bcast = jnp.broadcast_to(predict_w.reshape(F, 1), (F, 16))
    b_bcast = jnp.broadcast_to(predict_b.reshape(1, 1), (1, 16))
    aux = jnp.concatenate([w_bcast, b_bcast], axis=0).astype(jnp.float32)
    out = _gmf_sc(user_table, item_table, uidx, iidx, aux)
    return out.reshape(B, 1)

# --- scband reference (transcript-rebuilt; emitter-appended) ---
"""Pipeline reference for scband-gmf-86552180949659 (READ-ONLY COPY).

The authoritative reference and input builder live on the scoring server;
editing this copy changes nothing except your own understanding.
"""

import jax, jax.numpy as jnp
import numpy as np

NUM_USERS = 1000000
NUM_ITEMS = 1000000
NUM_FACTOR = 32
BATCH = 16384


def setup_inputs(seed: int = 0) -> dict:
    key = jax.random.key(seed)
    k1, k2, k3, k4, k5, k6 = jax.random.split(key, 6)
    users = jax.random.randint(k1, (BATCH,), 0, NUM_USERS, dtype=jnp.int64 if jax.config.jax_enable_x64 else jnp.int32)
    items = jax.random.randint(k2, (BATCH,), 0, NUM_ITEMS, dtype=jnp.int64 if jax.config.jax_enable_x64 else jnp.int32)
    user_table = 0.01 * jax.random.normal(k3, (NUM_USERS, NUM_FACTOR), dtype=jnp.float32)
    item_table = 0.01 * jax.random.normal(k4, (NUM_ITEMS, NUM_FACTOR), dtype=jnp.float32)
    predict_w = 0.01 * jax.random.normal(k5, (1, NUM_FACTOR), dtype=jnp.float32)
    predict_b = jnp.zeros((1,), dtype=jnp.float32)
    return {"users": users, "items": items, "user_table": user_table, "item_table": item_table, "predict_w": predict_w, "predict_b": predict_b}


def reference(users, items, user_table, item_table, predict_w, predict_b):
    # GMF forward: elementwise product of user/item embeddings -> Linear(num_factor,1) -> Sigmoid
    u_emb = jnp.take(user_table, users, axis=0)        # [B, F] gather
    i_emb = jnp.take(item_table, items, axis=0)        # [B, F] gather
    embedding_elementwise = u_emb * i_emb               # [B, F]
    logits = embedding_elementwise @ predict_w.T + predict_b  # [B, 1]
    output = jax.nn.sigmoid(logits)                     # [B, 1]
    return output

if __name__ == "__main__":
    import jax
    _d = setup_inputs()
    print(jax.jit(kernel)(*tuple(_d.values())))

</pallas_src>

<mosaic_0001>
#map = affine_map<(d0, d1) -> (0, 0)>
#map1 = affine_map<(d0, d1) -> (0, 0, 0)>
#map2 = affine_map<(d0, d1) -> (0)>
module attributes {stable_mosaic.version = 14 : i64} {
  func.func @_gmf_body(%arg0: i32, %arg1: i32, %arg2: memref<1000000x32xf32, #tpu.memory_space<hbm>>, %arg3: memref<1000000x32xf32, #tpu.memory_space<hbm>>, %arg4: memref<32x4x128xi32, #tpu.memory_space<hbm>>, %arg5: memref<32x4x128xi32, #tpu.memory_space<hbm>>, %arg6: memref<33x16xf32, #tpu.memory_space<hbm>>, %arg7: memref<16384xf32, #tpu.memory_space<hbm>>, %arg8: memref<4x128xi32, #tpu.memory_space<vmem>>, %arg9: memref<4x128xi32, #tpu.memory_space<vmem>>, %arg10: memref<512x32xf32, #tpu.memory_space<vmem>>, %arg11: memref<512x32xf32, #tpu.memory_space<vmem>>, %arg12: memref<33x16xf32, #tpu.memory_space<vmem>>, %arg13: memref<512xf32, #tpu.memory_space<vmem>>, %arg14: memref<!tpu.dma_semaphore, #tpu.memory_space<semaphore_mem>>) attributes {dimension_semantics = [#tpu.dimension_semantics<core_parallel>, #tpu.dimension_semantics<subcore_parallel>], iteration_bounds = array<i64: 2, 16>, scalar_prefetch = 0 : i64, scratch_operands = 7 : i64, tpu.core_type = #tpu.core_type<sc_vector_subcore>, window_params = [{transform_indices = #map}, {transform_indices = #map}, {transform_indices = #map1}, {transform_indices = #map1}, {transform_indices = #map}, {transform_indices = #map2}]} {
    %mul3A = arith.constant 2 : i32
    %mul3A_0 = arith.muli %arg1, %mul3A : i32
    %add3A = arith.addi %mul3A_0, %arg0 : i32
    "tpu.region"() ({
      %run_scoped3A = tpu.sem_alloc : memref<!tpu.dma_semaphore, #tpu.memory_space<semaphore_mem>>
      %dma_start3A_168 = arith.constant 0 : i32
      %dma_start3A_169 = arith.constant 0 : i32
      %dma_start3A_170 = tpu.memref_slice %arg4[%add3A, %dma_start3A_168, %dma_start3A_169] : memref<32x4x128xi32, #tpu.memory_space<hbm>> -> memref<1x4x128xi32, #tpu.memory_space<hbm>>
      %dma_start3A_171 = tpu.memref_squeeze %dma_start3A_170 : memref<1x4x128xi32, #tpu.memory_space<hbm>> -> memref<4x128xi32, #tpu.memory_space<hbm>>
      %dma_start3A_172 = arith.constant 0 : i32
      %dma_start3A_173 = arith.constant 0 : i32
      %dma_start3A_174 = tpu.memref_slice %arg4[%add3A, %dma_start3A_172, %dma_start3A_173] : memref<32x4x128xi32, #tpu.memory_space<hbm>> -> memref<1x4x128xi32, #tpu.memory_space<hbm>>
      %dma_start3A_175 = tpu.memref_squeeze %dma_start3A_174 : memref<1x4x128xi32, #tpu.memory_space<hbm>> -> memref<4x128xi32, #tpu.memory_space<hbm>>
      tpu.enqueue_dma source(%dma_start3A_175 : memref<4x128xi32, #tpu.memory_space<hbm>>) target(%arg8 : memref<4x128xi32, #tpu.memory_space<vmem>>) target_semaphore(%run_scoped3A : memref<!tpu.dma_semaphore, #tpu.memory_space<semaphore_mem>>)
      %dma_wait3A_176 = arith.constant 0 : i32
      %dma_wait3A_177 = arith.constant 0 : i32
      %dma_wait3A_178 = tpu.memref_slice %arg4[%add3A, %dma_wait3A_176, %dma_wait3A_177] : memref<32x4x128xi32, #tpu.memory_space<hbm>> -> memref<1x4x128xi32, #tpu.memory_space<hbm>>
      %dma_wait3A_179 = tpu.memref_squeeze %dma_wait3A_178 : memref<1x4x128xi32, #tpu.memory_space<hbm>> -> memref<4x128xi32, #tpu.memory_space<hbm>>
      %dma_wait3A_180 = arith.constant 0 : i32
      %dma_wait3A_181 = arith.constant 0 : i32
      %dma_wait3A_182 = tpu.memref_slice %arg4[%add3A, %dma_wait3A_180, %dma_wait3A_181] : memref<32x4x128xi32, #tpu.memory_space<hbm>> -> memref<1x4x128xi32, #tpu.memory_space<hbm>>
      %dma_wait3A_183 = tpu.memref_squeeze %dma_wait3A_182 : memref<1x4x128xi32, #tpu.memory_space<hbm>> -> memref<4x128xi32, #tpu.memory_space<hbm>>
      tpu.wait_dma2 semaphore(%run_scoped3A : memref<!tpu.dma_semaphore, #tpu.memory_space<semaphore_mem>>) src(%dma_wait3A_183 : memref<4x128xi32, #tpu.memory_space<hbm>>) dst(%arg8 : memref<4x128xi32, #tpu.memory_space<vmem>>)
      tpu.yield
    }) : () -> ()
    "tpu.region"() ({
      %run_scoped3A = tpu.sem_alloc : memref<!tpu.dma_semaphore, #tpu.memory_space<semaphore_mem>>
      %dma_start3A_168 = arith.constant 0 : i32
      %dma_start3A_169 = arith.constant 0 : i32
      %dma_start3A_170 = tpu.memref_slice %arg5[%add3A, %dma_start3A_168, %dma_start3A_169] : memref<32x4x128xi32, #tpu.memory_space<hbm>> -> memref<1x4x128xi32, #tpu.memory_space<hbm>>
      %dma_start3A_171 = tpu.memref_squeeze %dma_start3A_170 : memref<1x4x128xi32, #tpu.memory_space<hbm>> -> memref<4x128xi32, #tpu.memory_space<hbm>>
      %dma_start3A_172 = arith.constant 0 : i32
      %dma_start3A_173 = arith.constant 0 : i32
      %dma_start3A_174 = tpu.memref_slice %arg5[%add3A, %dma_start3A_172, %dma_start3A_173] : memref<32x4x128xi32, #tpu.memory_space<hbm>> -> memref<1x4x128xi32, #tpu.memory_space<hbm>>
      %dma_start3A_175 = tpu.memref_squeeze %dma_start3A_174 : memref<1x4x128xi32, #tpu.memory_space<hbm>> -> memref<4x128xi32, #tpu.memory_space<hbm>>
      tpu.enqueue_dma source(%dma_start3A_175 : memref<4x128xi32, #tpu.memory_space<hbm>>) target(%arg9 : memref<4x128xi32, #tpu.memory_space<vmem>>) target_semaphore(%run_scoped3A : memref<!tpu.dma_semaphore, #tpu.memory_space<semaphore_mem>>)
      %dma_wait3A_176 = arith.constant 0 : i32
      %dma_wait3A_177 = arith.constant 0 : i32
      %dma_wait3A_178 = tpu.memref_slice %arg5[%add3A, %dma_wait3A_176, %dma_wait3A_177] : memref<32x4x128xi32, #tpu.memory_space<hbm>> -> memref<1x4x128xi32, #tpu.memory_space<hbm>>
      %dma_wait3A_179 = tpu.memref_squeeze %dma_wait3A_178 : memref<1x4x128xi32, #tpu.memory_space<hbm>> -> memref<4x128xi32, #tpu.memory_space<hbm>>
      %dma_wait3A_180 = arith.constant 0 : i32
      %dma_wait3A_181 = arith.constant 0 : i32
      %dma_wait3A_182 = tpu.memref_slice %arg5[%add3A, %dma_wait3A_180, %dma_wait3A_181] : memref<32x4x128xi32, #tpu.memory_space<hbm>> -> memref<1x4x128xi32, #tpu.memory_space<hbm>>
      %dma_wait3A_183 = tpu.memref_squeeze %dma_wait3A_182 : memref<1x4x128xi32, #tpu.memory_space<hbm>> -> memref<4x128xi32, #tpu.memory_space<hbm>>
      tpu.wait_dma2 semaphore(%run_scoped3A : memref<!tpu.dma_semaphore, #tpu.memory_space<semaphore_mem>>) src(%dma_wait3A_183 : memref<4x128xi32, #tpu.memory_space<hbm>>) dst(%arg9 : memref<4x128xi32, #tpu.memory_space<vmem>>)
      tpu.yield
    }) : () -> ()
    "tpu.region"() ({
      %run_scoped3A = tpu.sem_alloc : memref<!tpu.dma_semaphore, #tpu.memory_space<semaphore_mem>>
      tpu.enqueue_dma source(%arg6 : memref<33x16xf32, #tpu.memory_space<hbm>>) target(%arg12 : memref<33x16xf32, #tpu.memory_space<vmem>>) target_semaphore(%run_scoped3A : memref<!tpu.dma_semaphore, #tpu.memory_space<semaphore_mem>>)
      tpu.wait_dma2 semaphore(%run_scoped3A : memref<!tpu.dma_semaphore, #tpu.memory_space<semaphore_mem>>) src(%arg6 : memref<33x16xf32, #tpu.memory_space<hbm>>) dst(%arg12 : memref<33x16xf32, #tpu.memory_space<vmem>>)
      tpu.yield
    }) : () -> ()
    %dma_start3A = arith.constant 0 : i32
    %dma_start3A_1 = arith.constant 0 : i32
    %dma_start3A_2 = arith.constant 0 : i32
    %dma_start3A_3 = tpu.memref_slice %arg10[%dma_start3A_1, %dma_start3A_2] : memref<512x32xf32, #tpu.memory_space<vmem>> -> memref<128x32xf32, #tpu.memory_space<vmem>>
    %dma_start3A_4 = arith.constant 0 : i32
    %dma_start3A_5 = tpu.memref_slice %arg8[%dma_start3A, %dma_start3A_4] : memref<4x128xi32, #tpu.memory_space<vmem>> -> memref<1x128xi32, #tpu.memory_space<vmem>>
    %dma_start3A_6 = tpu.memref_squeeze %dma_start3A_5 : memref<1x128xi32, #tpu.memory_space<vmem>> -> memref<128xi32, #tpu.memory_space<vmem>>
    %dma_start3A_7 = arith.constant 0 : i32
    %dma_start3A_8 = arith.constant 0 : i32
    %dma_start3A_9 = tpu.memref_slice %arg2[%dma_start3A_7, %dma_start3A_8] : memref<1000000x32xf32, #tpu.memory_space<hbm>> -> memref<1000000x32xf32, #tpu.memory_space<hbm>>
    tpu.enqueue_indirect_dma source(%dma_start3A_9 : memref<1000000x32xf32, #tpu.memory_space<hbm>>) target(%dma_start3A_3 : memref<128x32xf32, #tpu.memory_space<vmem>>) offsets(%dma_start3A_6 : memref<128xi32, #tpu.memory_space<vmem>>) semaphore(%arg14 : memref<!tpu.dma_semaphore, #tpu.memory_space<semaphore_mem>>)
    %dma_start3A_10 = arith.constant 0 : i32
    %dma_start3A_11 = arith.constant 0 : i32
    %dma_start3A_12 = arith.constant 0 : i32
    %dma_start3A_13 = tpu.memref_slice %arg11[%dma_start3A_11, %dma_start3A_12] : memref<512x32xf32, #tpu.memory_space<vmem>> -> memref<128x32xf32, #tpu.memory_space<vmem>>
    %dma_start3A_14 = arith.constant 0 : i32
    %dma_start3A_15 = tpu.memref_slice %arg9[%dma_start3A_10, %dma_start3A_14] : memref<4x128xi32, #tpu.memory_space<vmem>> -> memref<1x128xi32, #tpu.memory_space<vmem>>
    %dma_start3A_16 = tpu.memref_squeeze %dma_start3A_15 : memref<1x128xi32, #tpu.memory_space<vmem>> -> memref<128xi32, #tpu.memory_space<vmem>>
    %dma_start3A_17 = arith.constant 0 : i32
    %dma_start3A_18 = arith.constant 0 : i32
    %dma_start3A_19 = tpu.memref_slice %arg3[%dma_start3A_17, %dma_start3A_18] : memref<1000000x32xf32, #tpu.memory_space<hbm>> -> memref<1000000x32xf32, #tpu.memory_space<hbm>>
    tpu.enqueue_indirect_dma source(%dma_start3A_19 : memref<1000000x32xf32, #tpu.memory_space<hbm>>) target(%dma_start3A_13 : memref<128x32xf32, #tpu.memory_space<vmem>>) offsets(%dma_start3A_16 : memref<128xi32, #tpu.memory_space<vmem>>) semaphore(%arg14 : memref<!tpu.dma_semaphore, #tpu.memory_space<semaphore_mem>>)
    %dma_start3A_20 = arith.constant 1 : i32
    %dma_start3A_21 = arith.constant 128 : i32
    %dma_start3A_22 = arith.constant 0 : i32
    %dma_start3A_23 = tpu.memref_slice %arg10[%dma_start3A_21, %dma_start3A_22] : memref<512x32xf32, #tpu.memory_space<vmem>> -> memref<128x32xf32, #tpu.memory_space<vmem>>
    %dma_start3A_24 = arith.constant 0 : i32
    %dma_start3A_25 = tpu.memref_slice %arg8[%dma_start3A_20, %dma_start3A_24] : memref<4x128xi32, #tpu.memory_space<vmem>> -> memref<1x128xi32, #tpu.memory_space<vmem>>
    %dma_start3A_26 = tpu.memref_squeeze %dma_start3A_25 : memref<1x128xi32, #tpu.memory_space<vmem>> -> memref<128xi32, #tpu.memory_space<vmem>>
    %dma_start3A_27 = arith.constant 0 : i32
    %dma_start3A_28 = arith.constant 0 : i32
    %dma_start3A_29 = tpu.memref_slice %arg2[%dma_start3A_27, %dma_start3A_28] : memref<1000000x32xf32, #tpu.memory_space<hbm>> -> memref<1000000x32xf32, #tpu.memory_space<hbm>>
    tpu.enqueue_indirect_dma source(%dma_start3A_29 : memref<1000000x32xf32, #tpu.memory_space<hbm>>) target(%dma_start3A_23 : memref<128x32xf32, #tpu.memory_space<vmem>>) offsets(%dma_start3A_26 : memref<128xi32, #tpu.memory_space<vmem>>) semaphore(%arg14 : memref<!tpu.dma_semaphore, #tpu.memory_space<semaphore_mem>>)
    %dma_start3A_30 = arith.constant 1 : i32
    %dma_start3A_31 = arith.constant 128 : i32
    %dma_start3A_32 = arith.constant 0 : i32
    %dma_start3A_33 = tpu.memref_slice %arg11[%dma_start3A_31, %dma_start3A_32] : memref<512x32xf32, #tpu.memory_space<vmem>> -> memref<128x32xf32, #tpu.memory_space<vmem>>
    %dma_start3A_34 = arith.constant 0 : i32
    %dma_start3A_35 = tpu.memref_slice %arg9[%dma_start3A_30, %dma_start3A_34] : memref<4x128xi32, #tpu.memory_space<vmem>> -> memref<1x128xi32, #tpu.memory_space<vmem>>
    %dma_start3A_36 = tpu.memref_squeeze %dma_start3A_35 : memref<1x128xi32, #tpu.memory_space<vmem>> -> memref<128xi32, #tpu.memory_space<vmem>>
    %dma_start3A_37 = arith.constant 0 : i32
    %dma_start3A_38 = arith.constant 0 : i32
    %dma_start3A_39 = tpu.memref_slice %arg3[%dma_start3A_37, %dma_start3A_38] : memref<1000000x32xf32, #tpu.memory_space<hbm>> -> memref<1000000x32xf32, #tpu.memory_space<hbm>>
    tpu.enqueue_indirect_dma source(%dma_start3A_39 : memref<1000000x32xf32, #tpu.memory_space<hbm>>) target(%dma_start3A_33 : memref<128x32xf32, #tpu.memory_space<vmem>>) offsets(%dma_start3A_36 : memref<128xi32, #tpu.memory_space<vmem>>) semaphore(%arg14 : memref<!tpu.dma_semaphore, #tpu.memory_space<semaphore_mem>>)
    %dma_start3A_40 = arith.constant 2 : i32
    %dma_start3A_41 = arith.constant 256 : i32
    %dma_start3A_42 = arith.constant 0 : i32
    %dma_start3A_43 = tpu.memref_slice %arg10[%dma_start3A_41, %dma_start3A_42] : memref<512x32xf32, #tpu.memory_space<vmem>> -> memref<128x32xf32, #tpu.memory_space<vmem>>
    %dma_start3A_44 = arith.constant 0 : i32
    %dma_start3A_45 = tpu.memref_slice %arg8[%dma_start3A_40, %dma_start3A_44] : memref<4x128xi32, #tpu.memory_space<vmem>> -> memref<1x128xi32, #tpu.memory_space<vmem>>
    %dma_start3A_46 = tpu.memref_squeeze %dma_start3A_45 : memref<1x128xi32, #tpu.memory_space<vmem>> -> memref<128xi32, #tpu.memory_space<vmem>>
    %dma_start3A_47 = arith.constant 0 : i32
    %dma_start3A_48 = arith.constant 0 : i32
    %dma_start3A_49 = tpu.memref_slice %arg2[%dma_start3A_47, %dma_start3A_48] : memref<1000000x32xf32, #tpu.memory_space<hbm>> -> memref<1000000x32xf32, #tpu.memory_space<hbm>>
    tpu.enqueue_indirect_dma source(%dma_start3A_49 : memref<1000000x32xf32, #tpu.memory_space<hbm>>) target(%dma_start3A_43 : memref<128x32xf32, #tpu.memory_space<vmem>>) offsets(%dma_start3A_46 : memref<128xi32, #tpu.memory_space<vmem>>) semaphore(%arg14 : memref<!tpu.dma_semaphore, #tpu.memory_space<semaphore_mem>>)
    %dma_start3A_50 = arith.constant 2 : i32
    %dma_start3A_51 = arith.constant 256 : i32
    %dma_start3A_52 = arith.constant 0 : i32
    %dma_start3A_53 = tpu.memref_slice %arg11[%dma_start3A_51, %dma_start3A_52] : memref<512x32xf32, #tpu.memory_space<vmem>> -> memref<128x32xf32, #tpu.memory_space<vmem>>
    %dma_start3A_54 = arith.constant 0 : i32
    %dma_start3A_55 = tpu.memref_slice %arg9[%dma_start3A_50, %dma_start3A_54] : memref<4x128xi32, #tpu.memory_space<vmem>> -> memref<1x128xi32, #tpu.memory_space<vmem>>
    %dma_start3A_56 = tpu.memref_squeeze %dma_start3A_55 : memref<1x128xi32, #tpu.memory_space<vmem>> -> memref<128xi32, #tpu.memory_space<vmem>>
    %dma_start3A_57 = arith.constant 0 : i32
    %dma_start3A_58 = arith.constant 0 : i32
    %dma_start3A_59 = tpu.memref_slice %arg3[%dma_start3A_57, %dma_start3A_58] : memref<1000000x32xf32, #tpu.memory_space<hbm>> -> memref<1000000x32xf32, #tpu.memory_space<hbm>>
    tpu.enqueue_indirect_dma source(%dma_start3A_59 : memref<1000000x32xf32, #tpu.memory_space<hbm>>) target(%dma_start3A_53 : memref<128x32xf32, #tpu.memory_space<vmem>>) offsets(%dma_start3A_56 : memref<128xi32, #tpu.memory_space<vmem>>) semaphore(%arg14 : memref<!tpu.dma_semaphore, #tpu.memory_space<semaphore_mem>>)
    %dma_start3A_60 = arith.constant 3 : i32
    %dma_start3A_61 = arith.constant 384 : i32
    %dma_start3A_62 = arith.constant 0 : i32
    %dma_start3A_63 = tpu.memref_slice %arg10[%dma_start3A_61, %dma_start3A_62] : memref<512x32xf32, #tpu.memory_space<vmem>> -> memref<128x32xf32, #tpu.memory_space<vmem>>
    %dma_start3A_64 = arith.constant 0 : i32
    %dma_start3A_65 = tpu.memref_slice %arg8[%dma_start3A_60, %dma_start3A_64] : memref<4x128xi32, #tpu.memory_space<vmem>> -> memref<1x128xi32, #tpu.memory_space<vmem>>
    %dma_start3A_66 = tpu.memref_squeeze %dma_start3A_65 : memref<1x128xi32, #tpu.memory_space<vmem>> -> memref<128xi32, #tpu.memory_space<vmem>>
    %dma_start3A_67 = arith.constant 0 : i32
    %dma_start3A_68 = arith.constant 0 : i32
    %dma_start3A_69 = tpu.memref_slice %arg2[%dma_start3A_67, %dma_start3A_68] : memref<1000000x32xf32, #tpu.memory_space<hbm>> -> memref<1000000x32xf32, #tpu.memory_space<hbm>>
    tpu.enqueue_indirect_dma source(%dma_start3A_69 : memref<1000000x32xf32, #tpu.memory_space<hbm>>) target(%dma_start3A_63 : memref<128x32xf32, #tpu.memory_space<vmem>>) offsets(%dma_start3A_66 : memref<128xi32, #tpu.memory_space<vmem>>) semaphore(%arg14 : memref<!tpu.dma_semaphore, #tpu.memory_space<semaphore_mem>>)
    %dma_start3A_70 = arith.constant 3 : i32
    %dma_start3A_71 = arith.constant 384 : i32
    %dma_start3A_72 = arith.constant 0 : i32
    %dma_start3A_73 = tpu.memref_slice %arg11[%dma_start3A_71, %dma_start3A_72] : memref<512x32xf32, #tpu.memory_space<vmem>> -> memref<128x32xf32, #tpu.memory_space<vmem>>
    %dma_start3A_74 = arith.constant 0 : i32
    %dma_start3A_75 = tpu.memref_slice %arg9[%dma_start3A_70, %dma_start3A_74] : memref<4x128xi32, #tpu.memory_space<vmem>> -> memref<1x128xi32, #tpu.memory_space<vmem>>
    %dma_start3A_76 = tpu.memref_squeeze %dma_start3A_75 : memref<1x128xi32, #tpu.memory_space<vmem>> -> memref<128xi32, #tpu.memory_space<vmem>>
    %dma_start3A_77 = arith.constant 0 : i32
    %dma_start3A_78 = arith.constant 0 : i32
    %dma_start3A_79 = tpu.memref_slice %arg3[%dma_start3A_77, %dma_start3A_78] : memref<1000000x32xf32, #tpu.memory_space<hbm>> -> memref<1000000x32xf32, #tpu.memory_space<hbm>>
    tpu.enqueue_indirect_dma source(%dma_start3A_79 : memref<1000000x32xf32, #tpu.memory_space<hbm>>) target(%dma_start3A_73 : memref<128x32xf32, #tpu.memory_space<vmem>>) offsets(%dma_start3A_76 : memref<128xi32, #tpu.memory_space<vmem>>) semaphore(%arg14 : memref<!tpu.dma_semaphore, #tpu.memory_space<semaphore_mem>>)
    %dma_wait3A = arith.constant 0 : i32
    %dma_wait3A_80 = arith.constant 0 : i32
    %dma_wait3A_81 = arith.constant 0 : i32
    %dma_wait3A_82 = tpu.memref_slice %arg10[%dma_wait3A_80, %dma_wait3A_81] : memref<512x32xf32, #tpu.memory_space<vmem>> -> memref<128x32xf32, #tpu.memory_space<vmem>>
    %dma_wait3A_83 = arith.constant 0 : i32
    %dma_wait3A_84 = tpu.memref_slice %arg8[%dma_wait3A, %dma_wait3A_83] : memref<4x128xi32, #tpu.memory_space<vmem>> -> memref<1x128xi32, #tpu.memory_space<vmem>>
    %dma_wait3A_85 = tpu.memref_squeeze %dma_wait3A_84 : memref<1x128xi32, #tpu.memory_space<vmem>> -> memref<128xi32, #tpu.memory_space<vmem>>
    %dma_wait3A_86 = arith.constant 0 : i32
    %dma_wait3A_87 = arith.constant 0 : i32
    %dma_wait3A_88 = tpu.memref_slice %arg2[%dma_wait3A_86, %dma_wait3A_87] : memref<1000000x32xf32, #tpu.memory_space<hbm>> -> memref<1000000x32xf32, #tpu.memory_space<hbm>>
    tpu.wait_indirect_dma semaphore(%arg14 : memref<!tpu.dma_semaphore, #tpu.memory_space<semaphore_mem>>) src(%dma_wait3A_88 : memref<1000000x32xf32, #tpu.memory_space<hbm>>) dst(%dma_wait3A_82 : memref<128x32xf32, #tpu.memory_space<vmem>>)
    %dma_wait3A_89 = arith.constant 0 : i32
    %dma_wait3A_90 = arith.constant 0 : i32
    %dma_wait3A_91 = arith.constant 0 : i32
    %dma_wait3A_92 = tpu.memref_slice %arg11[%dma_wait3A_90, %dma_wait3A_91] : memref<512x32xf32, #tpu.memory_space<vmem>> -> memref<128x32xf32, #tpu.memory_space<vmem>>
    %dma_wait3A_93 = arith.constant 0 : i32
    %dma_wait3A_94 = tpu.memref_slice %arg9[%dma_wait3A_89, %dma_wait3A_93] : memref<4x128xi32, #tpu.memory_space<vmem>> -> memref<1x128xi32, #tpu.memory_space<vmem>>
    %dma_wait3A_95 = tpu.memref_squeeze %dma_wait3A_94 : memref<1x128xi32, #tpu.memory_space<vmem>> -> memref<128xi32, #tpu.memory_space<vmem>>
    %dma_wait3A_96 = arith.constant 0 : i32
    %dma_wait3A_97 = arith.constant 0 : i32
    %dma_wait3A_98 = tpu.memref_slice %arg3[%dma_wait3A_96, %dma_wait3A_97] : memref<1000000x32xf32, #tpu.memory_space<hbm>> -> memref<1000000x32xf32, #tpu.memory_space<hbm>>
    tpu.wait_indirect_dma semaphore(%arg14 : memref<!tpu.dma_semaphore, #tpu.memory_space<semaphore_mem>>) src(%dma_wait3A_98 : memref<1000000x32xf32, #tpu.memory_space<hbm>>) dst(%dma_wait3A_92 : memref<128x32xf32, #tpu.memory_space<vmem>>)
    %dma_wait3A_99 = arith.constant 1 : i32
    %dma_wait3A_100 = arith.constant 128 : i32
    %dma_wait3A_101 = arith.constant 0 : i32
    %dma_wait3A_102 = tpu.memref_slice %arg10[%dma_wait3A_100, %dma_wait3A_101] : memref<512x32xf32, #tpu.memory_space<vmem>> -> memref<128x32xf32, #tpu.memory_space<vmem>>
    %dma_wait3A_103 = arith.constant 0 : i32
    %dma_wait3A_104 = tpu.memref_slice %arg8[%dma_wait3A_99, %dma_wait3A_103] : memref<4x128xi32, #tpu.memory_space<vmem>> -> memref<1x128xi32, #tpu.memory_space<vmem>>
    %dma_wait3A_105 = tpu.memref_squeeze %dma_wait3A_104 : memref<1x128xi32, #tpu.memory_space<vmem>> -> memref<128xi32, #tpu.memory_space<vmem>>
    %dma_wait3A_106 = arith.constant 0 : i32
    %dma_wait3A_107 = arith.constant 0 : i32
    %dma_wait3A_108 = tpu.memref_slice %arg2[%dma_wait3A_106, %dma_wait3A_107] : memref<1000000x32xf32, #tpu.memory_space<hbm>> -> memref<1000000x32xf32, #tpu.memory_space<hbm>>
    tpu.wait_indirect_dma semaphore(%arg14 : memref<!tpu.dma_semaphore, #tpu.memory_space<semaphore_mem>>) src(%dma_wait3A_108 : memref<1000000x32xf32, #tpu.memory_space<hbm>>) dst(%dma_wait3A_102 : memref<128x32xf32, #tpu.memory_space<vmem>>)
    %dma_wait3A_109 = arith.constant 1 : i32
    %dma_wait3A_110 = arith.constant 128 : i32
    %dma_wait3A_111 = arith.constant 0 : i32
    %dma_wait3A_112 = tpu.memref_slice %arg11[%dma_wait3A_110, %dma_wait3A_111] : memref<512x32xf32, #tpu.memory_space<vmem>> -> memref<128x32xf32, #tpu.memory_space<vmem>>
    %dma_wait3A_113 = arith.constant 0 : i32
    %dma_wait3A_114 = tpu.memref_slice %arg9[%dma_wait3A_109, %dma_wait3A_113] : memref<4x128xi32, #tpu.memory_space<vmem>> -> memref<1x128xi32, #tpu.memory_space<vmem>>
    %dma_wait3A_115 = tpu.memref_squeeze %dma_wait3A_114 : memref<1x128xi32, #tpu.memory_space<vmem>> -> memref<128xi32, #tpu.memory_space<vmem>>
    %dma_wait3A_116 = arith.constant 0 : i32
    %dma_wait3A_117 = arith.constant 0 : i32
    %dma_wait3A_118 = tpu.memref_slice %arg3[%dma_wait3A_116, %dma_wait3A_117] : memref<1000000x32xf32, #tpu.memory_space<hbm>> -> memref<1000000x32xf32, #tpu.memory_space<hbm>>
    tpu.wait_indirect_dma semaphore(%arg14 : memref<!tpu.dma_semaphore, #tpu.memory_space<semaphore_mem>>) src(%dma_wait3A_118 : memref<1000000x32xf32, #tpu.memory_space<hbm>>) dst(%dma_wait3A_112 : memref<128x32xf32, #tpu.memory_space<vmem>>)
    %dma_wait3A_119 = arith.constant 2 : i32
    %dma_wait3A_120 = arith.constant 256 : i32
    %dma_wait3A_121 = arith.constant 0 : i32
    %dma_wait3A_122 = tpu.memref_slice %arg10[%dma_wait3A_120, %dma_wait3A_121] : memref<512x32xf32, #tpu.memory_space<vmem>> -> memref<128x32xf32, #tpu.memory_space<vmem>>
    %dma_wait3A_123 = arith.constant 0 : i32
    %dma_wait3A_124 = tpu.memref_slice %arg8[%dma_wait3A_119, %dma_wait3A_123] : memref<4x128xi32, #tpu.memory_space<vmem>> -> memref<1x128xi32, #tpu.memory_space<vmem>>
    %dma_wait3A_125 = tpu.memref_squeeze %dma_wait3A_124 : memref<1x128xi32, #tpu.memory_space<vmem>> -> memref<128xi32, #tpu.memory_space<vmem>>
    %dma_wait3A_126 = arith.constant 0 : i32
    %dma_wait3A_127 = arith.constant 0 : i32
    %dma_wait3A_128 = tpu.memref_slice %arg2[%dma_wait3A_126, %dma_wait3A_127] : memref<1000000x32xf32, #tpu.memory_space<hbm>> -> memref<1000000x32xf32, #tpu.memory_space<hbm>>
    tpu.wait_indirect_dma semaphore(%arg14 : memref<!tpu.dma_semaphore, #tpu.memory_space<semaphore_mem>>) src(%dma_wait3A_128 : memref<1000000x32xf32, #tpu.memory_space<hbm>>) dst(%dma_wait3A_122 : memref<128x32xf32, #tpu.memory_space<vmem>>)
    %dma_wait3A_129 = arith.constant 2 : i32
    %dma_wait3A_130 = arith.constant 256 : i32
    %dma_wait3A_131 = arith.constant 0 : i32
    %dma_wait3A_132 = tpu.memref_slice %arg11[%dma_wait3A_130, %dma_wait3A_131] : memref<512x32xf32, #tpu.memory_space<vmem>> -> memref<128x32xf32, #tpu.memory_space<vmem>>
    %dma_wait3A_133 = arith.constant 0 : i32
    %dma_wait3A_134 = tpu.memref_slice %arg9[%dma_wait3A_129, %dma_wait3A_133] : memref<4x128xi32, #tpu.memory_space<vmem>> -> memref<1x128xi32, #tpu.memory_space<vmem>>
    %dma_wait3A_135 = tpu.memref_squeeze %dma_wait3A_134 : memref<1x128xi32, #tpu.memory_space<vmem>> -> memref<128xi32, #tpu.memory_space<vmem>>
    %dma_wait3A_136 = arith.constant 0 : i32
    %dma_wait3A_137 = arith.constant 0 : i32
    %dma_wait3A_138 = tpu.memref_slice %arg3[%dma_wait3A_136, %dma_wait3A_137] : memref<1000000x32xf32, #tpu.memory_space<hbm>> -> memref<1000000x32xf32, #tpu.memory_space<hbm>>
    tpu.wait_indirect_dma semaphore(%arg14 : memref<!tpu.dma_semaphore, #tpu.memory_space<semaphore_mem>>) src(%dma_wait3A_138 : memref<1000000x32xf32, #tpu.memory_space<hbm>>) dst(%dma_wait3A_132 : memref<128x32xf32, #tpu.memory_space<vmem>>)
    %dma_wait3A_139 = arith.constant 3 : i32
    %dma_wait3A_140 = arith.constant 384 : i32
    %dma_wait3A_141 = arith.constant 0 : i32
    %dma_wait3A_142 = tpu.memref_slice %arg10[%dma_wait3A_140, %dma_wait3A_141] : memref<512x32xf32, #tpu.memory_space<vmem>> -> memref<128x32xf32, #tpu.memory_space<vmem>>
    %dma_wait3A_143 = arith.constant 0 : i32
    %dma_wait3A_144 = tpu.memref_slice %arg8[%dma_wait3A_139, %dma_wait3A_143] : memref<4x128xi32, #tpu.memory_space<vmem>> -> memref<1x128xi32, #tpu.memory_space<vmem>>
    %dma_wait3A_145 = tpu.memref_squeeze %dma_wait3A_144 : memref<1x128xi32, #tpu.memory_space<vmem>> -> memref<128xi32, #tpu.memory_space<vmem>>
    %dma_wait3A_146 = arith.constant 0 : i32
    %dma_wait3A_147 = arith.constant 0 : i32
    %dma_wait3A_148 = tpu.memref_slice %arg2[%dma_wait3A_146, %dma_wait3A_147] : memref<1000000x32xf32, #tpu.memory_space<hbm>> -> memref<1000000x32xf32, #tpu.memory_space<hbm>>
    tpu.wait_indirect_dma semaphore(%arg14 : memref<!tpu.dma_semaphore, #tpu.memory_space<semaphore_mem>>) src(%dma_wait3A_148 : memref<1000000x32xf32, #tpu.memory_space<hbm>>) dst(%dma_wait3A_142 : memref<128x32xf32, #tpu.memory_space<vmem>>)
    %dma_wait3A_149 = arith.constant 3 : i32
    %dma_wait3A_150 = arith.constant 384 : i32
    %dma_wait3A_151 = arith.constant 0 : i32
    %dma_wait3A_152 = tpu.memref_slice %arg11[%dma_wait3A_150, %dma_wait3A_151] : memref<512x32xf32, #tpu.memory_space<vmem>> -> memref<128x32xf32, #tpu.memory_space<vmem>>
    %dma_wait3A_153 = arith.constant 0 : i32
    %dma_wait3A_154 = tpu.memref_slice %arg9[%dma_wait3A_149, %dma_wait3A_153] : memref<4x128xi32, #tpu.memory_space<vmem>> -> memref<1x128xi32, #tpu.memory_space<vmem>>
    %dma_wait3A_155 = tpu.memref_squeeze %dma_wait3A_154 : memref<1x128xi32, #tpu.memory_space<vmem>> -> memref<128xi32, #tpu.memory_space<vmem>>
    %dma_wait3A_156 = arith.constant 0 : i32
    %dma_wait3A_157 = arith.constant 0 : i32
    %dma_wait3A_158 = tpu.memref_slice %arg3[%dma_wait3A_156, %dma_wait3A_157] : memref<1000000x32xf32, #tpu.memory_space<hbm>> -> memref<1000000x32xf32, #tpu.memory_space<hbm>>
    tpu.wait_indirect_dma semaphore(%arg14 : memref<!tpu.dma_semaphore, #tpu.memory_space<semaphore_mem>>) src(%dma_wait3A_158 : memref<1000000x32xf32, #tpu.memory_space<hbm>>) dst(%dma_wait3A_152 : memref<128x32xf32, #tpu.memory_space<vmem>>)
    %iota3A = tpu.iota {dimensions = array<i32: 0>} : vector<16xi32>
    %get3A = arith.constant 32 : i32
    %get3A_159 = arith.index_cast %get3A : i32 to index
    %get3A_160 = arith.constant 0 : index
    %get3A_161 = tpu.vector_load %arg12[%get3A_159, %get3A_160] {strides = array<i32>} : memref<33x16xf32, #tpu.memory_space<vmem>>, vector<16xf32>,
    %scan3A = arith.constant 0 : i32
    %scan3A_162 = arith.constant 32 : i32
    %scan3A_163 = arith.addi %scan3A, %scan3A_162 : i32
    %scan3A_164 = arith.constant 1 : i32
    scf.for %scan3A_168 = %scan3A to %scan3A_163 step %scan3A_164  : i32 {
      %mul3A_169 = arith.constant 1 : i32
      %mul3A_170 = arith.muli %scan3A_168, %mul3A_169 : i32
      %add3A_171 = arith.constant 0 : i32
      %add3A_172 = arith.addi %add3A_171, %mul3A_170 : i32
      %mul3A_173 = arith.constant 16 : i32
      %mul3A_174 = arith.muli %add3A_172, %mul3A_173 : i32
      %add3A_175 = vector.broadcast %mul3A_174 : i32 to vector<16xi32>
      %add3A_176 = arith.addi %add3A_175, %iota3A : vector<16xi32>
      %broadcast_in_dim3A = arith.constant 0 : i32
      %broadcast_in_dim3A_177 = vector.broadcast %broadcast_in_dim3A : i32 to vector<16xi32>
      %gather3A = tpu.vector_load_idx %arg10[%add3A_176, %broadcast_in_dim3A_177] : memref<512x32xf32, #tpu.memory_space<vmem>>[vector<16xi32>, vector<16xi32>], vector<16xf32>,
      %gather3A_178 = tpu.vector_load_idx %arg11[%add3A_176, %broadcast_in_dim3A_177] : memref<512x32xf32, #tpu.memory_space<vmem>>[vector<16xi32>, vector<16xi32>], vector<16xf32>,
      %get3A_179 = arith.constant 0 : i32
      %get3A_180 = arith.index_cast %get3A_179 : i32 to index
      %get3A_181 = arith.constant 0 : index
      %get3A_182 = tpu.vector_load %arg12[%get3A_180, %get3A_181] {strides = array<i32>} : memref<33x16xf32, #tpu.memory_space<vmem>>, vector<16xf32>,
      %mul3A_183 = arith.mulf %get3A_182, %gather3A : vector<16xf32>
      %mul3A_184 = arith.mulf %mul3A_183, %gather3A_178 : vector<16xf32>
      %add3A_185 = arith.addf %get3A_161, %mul3A_184 : vector<16xf32>
      %broadcast_in_dim3A_186 = arith.constant 1 : i32
      %broadcast_in_dim3A_187 = vector.broadcast %broadcast_in_dim3A_186 : i32 to vector<16xi32>
      %gather3A_188 = tpu.vector_load_idx %arg10[%add3A_176, %broadcast_in_dim3A_187] : memref<512x32xf32, #tpu.memory_space<vmem>>[vector<16xi32>, vector<16xi32>], vector<16xf32>,
      %gather3A_189 = tpu.vector_load_idx %arg11[%add3A_176, %broadcast_in_dim3A_187] : memref<512x32xf32, #tpu.memory_space<vmem>>[vector<16xi32>, vector<16xi32>], vector<16xf32>,
      %get3A_190 = arith.constant 1 : i32
      %get3A_191 = arith.index_cast %get3A_190 : i32 to index
      %get3A_192 = arith.constant 0 : index
      %get3A_193 = tpu.vector_load %arg12[%get3A_191, %get3A_192] {strides = array<i32>} : memref<33x16xf32, #tpu.memory_space<vmem>>, vector<16xf32>,
      %mul3A_194 = arith.mulf %get3A_193, %gather3A_188 : vector<16xf32>
      %mul3A_195 = arith.mulf %mul3A_194, %gather3A_189 : vector<16xf32>
      %add3A_196 = arith.addf %add3A_185, %mul3A_195 : vector<16xf32>
      %broadcast_in_dim3A_197 = arith.constant 2 : i32
      %broadcast_in_dim3A_198 = vector.broadcast %broadcast_in_dim3A_197 : i32 to vector<16xi32>
      %gather3A_199 = tpu.vector_load_idx %arg10[%add3A_176, %broadcast_in_dim3A_198] : memref<512x32xf32, #tpu.memory_space<vmem>>[vector<16xi32>, vector<16xi32>], vector<16xf32>,
      %gather3A_200 = tpu.vector_load_idx %arg11[%add3A_176, %broadcast_in_dim3A_198] : memref<512x32xf32, #tpu.memory_space<vmem>>[vector<16xi32>, vector<16xi32>], vector<16xf32>,
      %get3A_201 = arith.constant 2 : i32
      %get3A_202 = arith.index_cast %get3A_201 : i32 to index
      %get3A_203 = arith.constant 0 : index
      %get3A_204 = tpu.vector_load %arg12[%get3A_202, %get3A_203] {strides = array<i32>} : memref<33x16xf32, #tpu.memory_space<vmem>>, vector<16xf32>,
      %mul3A_205 = arith.mulf %get3A_204, %gather3A_199 : vector<16xf32>
      %mul3A_206 = arith.mulf %mul3A_205, %gather3A_200 : vector<16xf32>
      %add3A_207 = arith.addf %add3A_196, %mul3A_206 : vector<16xf32>
      %broadcast_in_dim3A_208 = arith.constant 3 : i32
      %broadcast_in_dim3A_209 = vector.broadcast %broadcast_in_dim3A_208 : i32 to vector<16xi32>
      %gather3A_210 = tpu.vector_load_idx %arg10[%add3A_176, %broadcast_in_dim3A_209] : memref<512x32xf32, #tpu.memory_space<vmem>>[vector<16xi32>, vector<16xi32>], vector<16xf32>,
      %gather3A_211 = tpu.vector_load_idx %arg11[%add3A_176, %broadcast_in_dim3A_209] : memref<512x32xf32, #tpu.memory_space<vmem>>[vector<16xi32>, vector<16xi32>], vector<16xf32>,
      %get3A_212 = arith.constant 3 : i32
      %get3A_213 = arith.index_cast %get3A_212 : i32 to index
      %get3A_214 = arith.constant 0 : index
      %get3A_215 = tpu.vector_load %arg12[%get3A_213, %get3A_214] {strides = array<i32>} : memref<33x16xf32, #tpu.memory_space<vmem>>, vector<16xf32>,
      %mul3A_216 = arith.mulf %get3A_215, %gather3A_210 : vector<16xf32>
      %mul3A_217 = arith.mulf %mul3A_216, %gather3A_211 : vector<16xf32>
      %add3A_218 = arith.addf %add3A_207, %mul3A_217 : vector<16xf32>
      %broadcast_in_dim3A_219 = arith.constant 4 : i32
      %broadcast_in_dim3A_220 = vector.broadcast %broadcast_in_dim3A_219 : i32 to vector<16xi32>
      %gather3A_221 = tpu.vector_load_idx %arg10[%add3A_176, %broadcast_in_dim3A_220] : memref<512x32xf32, #tpu.memory_space<vmem>>[vector<16xi32>, vector<16xi32>], vector<16xf32>,
      %gather3A_222 = tpu.vector_load_idx %arg11[%add3A_176, %broadcast_in_dim3A_220] : memref<512x32xf32, #tpu.memory_space<vmem>>[vector<16xi32>, vector<16xi32>], vector<16xf32>,
      %get3A_223 = arith.constant 4 : i32
      %get3A_224 = arith.index_cast %get3A_223 : i32 to index
      %get3A_225 = arith.constant 0 : index
      %get3A_226 = tpu.vector_load %arg12[%get3A_224, %get3A_225] {strides = array<i32>} : memref<33x16xf32, #tpu.memory_space<vmem>>, vector<16xf32>,
      %mul3A_227 = arith.mulf %get3A_226, %gather3A_221 : vector<16xf32>
      %mul3A_228 = arith.mulf %mul3A_227, %gather3A_222 : vector<16xf32>
      %add3A_229 = arith.addf %add3A_218, %mul3A_228 : vector<16xf32>
      %broadcast_in_dim3A_230 = arith.constant 5 : i32
      %broadcast_in_dim3A_231 = vector.broadcast %broadcast_in_dim3A_230 : i32 to vector<16xi32>
      %gather3A_232 = tpu.vector_load_idx %arg10[%add3A_176, %broadcast_in_dim3A_231] : memref<512x32xf32, #tpu.memory_space<vmem>>[vector<16xi32>, vector<16xi32>], vector<16xf32>,
      %gather3A_233 = tpu.vector_load_idx %arg11[%add3A_176, %broadcast_in_dim3A_231] : memref<512x32xf32, #tpu.memory_space<vmem>>[vector<16xi32>, vector<16xi32>], vector<16xf32>,
      %get3A_234 = arith.constant 5 : i32
      %get3A_235 = arith.index_cast %get3A_234 : i32 to index
      %get3A_236 = arith.constant 0 : index
      %get3A_237 = tpu.vector_load %arg12[%get3A_235, %get3A_236] {strides = array<i32>} : memref<33x16xf32, #tpu.memory_space<vmem>>, vector<16xf32>,
      %mul3A_238 = arith.mulf %get3A_237, %gather3A_232 : vector<16xf32>
      %mul3A_239 = arith.mulf %mul3A_238, %gather3A_233 : vector<16xf32>
      %add3A_240 = arith.addf %add3A_229, %mul3A_239 : vector<16xf32>
      %broadcast_in_dim3A_241 = arith.constant 6 : i32
      %broadcast_in_dim3A_242 = vector.broadcast %broadcast_in_dim3A_241 : i32 to vector<16xi32>
      %gather3A_243 = tpu.vector_load_idx %arg10[%add3A_176, %broadcast_in_dim3A_242] : memref<512x32xf32, #tpu.memory_space<vmem>>[vector<16xi32>, vector<16xi32>], vector<16xf32>,
      %gather3A_244 = tpu.vector_load_idx %arg11[%add3A_176, %broadcast_in_dim3A_242] : memref<512x32xf32, #tpu.memory_space<vmem>>[vector<16xi32>, vector<16xi32>], vector<16xf32>,
      %get3A_245 = arith.constant 6 : i32
      %get3A_246 = arith.index_cast %get3A_245 : i32 to index
      %get3A_247 = arith.constant 0 : index
      %get3A_248 = tpu.vector_load %arg12[%get3A_246, %get3A_247] {strides = array<i32>} : memref<33x16xf32, #tpu.memory_space<vmem>>, vector<16xf32>,
      %mul3A_249 = arith.mulf %get3A_248, %gather3A_243 : vector<16xf32>
      %mul3A_250 = arith.mulf %mul3A_249, %gather3A_244 : vector<16xf32>
      %add3A_251 = arith.addf %add3A_240, %mul3A_250 : vector<16xf32>
      %broadcast_in_dim3A_252 = arith.constant 7 : i32
      %broadcast_in_dim3A_253 = vector.broadcast %broadcast_in_dim3A_252 : i32 to vector<16xi32>
      %gather3A_254 = tpu.vector_load_idx %arg10[%add3A_176, %broadcast_in_dim3A_253] : memref<512x32xf32, #tpu.memory_space<vmem>>[vector<16xi32>, vector<16xi32>], vector<16xf32>,
      %gather3A_255 = tpu.vector_load_idx %arg11[%add3A_176, %broadcast_in_dim3A_253] : memref<512x32xf32, #tpu.memory_space<vmem>>[vector<16xi32>, vector<16xi32>], vector<16xf32>,
      %get3A_256 = arith.constant 7 : i32
      %get3A_257 = arith.index_cast %get3A_256 : i32 to index
      %get3A_258 = arith.constant 0 : index
      %get3A_259 = tpu.vector_load %arg12[%get3A_257, %get3A_258] {strides = array<i32>} : memref<33x16xf32, #tpu.memory_space<vmem>>, vector<16xf32>,
      %mul3A_260 = arith.mulf %get3A_259, %gather3A_254 : vector<16xf32>
      %mul3A_261 = arith.mulf %mul3A_260, %gather3A_255 : vector<16xf32>
      %add3A_262 = arith.addf %add3A_251, %mul3A_261 : vector<16xf32>
      %broadcast_in_dim3A_263 = arith.constant 8 : i32
      %broadcast_in_dim3A_264 = vector.broadcast %broadcast_in_dim3A_263 : i32 to vector<16xi32>
      %gather3A_265 = tpu.vector_load_idx %arg10[%add3A_176, %broadcast_in_dim3A_264] : memref<512x32xf32, #tpu.memory_space<vmem>>[vector<16xi32>, vector<16xi32>], vector<16xf32>,
      %gather3A_266 = tpu.vector_load_idx %arg11[%add3A_176, %broadcast_in_dim3A_264] : memref<512x32xf32, #tpu.memory_space<vmem>>[vector<16xi32>, vector<16xi32>], vector<16xf32>,
      %get3A_267 = arith.constant 8 : i32
      %get3A_268 = arith.index_cast %get3A_267 : i32 to index
      %get3A_269 = arith.constant 0 : index
      %get3A_270 = tpu.vector_load %arg12[%get3A_268, %get3A_269] {strides = array<i32>} : memref<33x16xf32, #tpu.memory_space<vmem>>, vector<16xf32>,
      %mul3A_271 = arith.mulf %get3A_270, %gather3A_265 : vector<16xf32>
      %mul3A_272 = arith.mulf %mul3A_271, %gather3A_266 : vector<16xf32>
      %add3A_273 = arith.addf %add3A_262, %mul3A_272 : vector<16xf32>
      %broadcast_in_dim3A_274 = arith.constant 9 : i32
      %broadcast_in_dim3A_275 = vector.broadcast %broadcast_in_dim3A_274 : i32 to vector<16xi32>
      %gather3A_276 = tpu.vector_load_idx %arg10[%add3A_176, %broadcast_in_dim3A_275] : memref<512x32xf32, #tpu.memory_space<vmem>>[vector<16xi32>, vector<16xi32>], vector<16xf32>,
      %gather3A_277 = tpu.vector_load_idx %arg11[%add3A_176, %broadcast_in_dim3A_275] : memref<512x32xf32, #tpu.memory_space<vmem>>[vector<16xi32>, vector<16xi32>], vector<16xf32>,
      %get3A_278 = arith.constant 9 : i32
      %get3A_279 = arith.index_cast %get3A_278 : i32 to index
      %get3A_280 = arith.constant 0 : index
      %get3A_281 = tpu.vector_load %arg12[%get3A_279, %get3A_280] {strides = array<i32>} : memref<33x16xf32, #tpu.memory_space<vmem>>, vector<16xf32>,
      %mul3A_282 = arith.mulf %get3A_281, %gather3A_276 : vector<16xf32>
      %mul3A_283 = arith.mulf %mul3A_282, %gather3A_277 : vector<16xf32>
      %add3A_284 = arith.addf %add3A_273, %mul3A_283 : vector<16xf32>
      %broadcast_in_dim3A_285 = arith.constant 10 : i32
      %broadcast_in_dim3A_286 = vector.broadcast %broadcast_in_dim3A_285 : i32 to vector<16xi32>
      %gather3A_287 = tpu.vector_load_idx %arg10[%add3A_176, %broadcast_in_dim3A_286] : memref<512x32xf32, #tpu.memory_space<vmem>>[vector<16xi32>, vector<16xi32>], vector<16xf32>,
      %gather3A_288 = tpu.vector_load_idx %arg11[%add3A_176, %broadcast_in_dim3A_286] : memref<512x32xf32, #tpu.memory_space<vmem>>[vector<16xi32>, vector<16xi32>], vector<16xf32>,
      %get3A_289 = arith.constant 10 : i32
      %get3A_290 = arith.index_cast %get3A_289 : i32 to index
      %get3A_291 = arith.constant 0 : index
      %get3A_292 = tpu.vector_load %arg12[%get3A_290, %get3A_291] {strides = array<i32>} : memref<33x16xf32, #tpu.memory_space<vmem>>, vector<16xf32>,
      %mul3A_293 = arith.mulf %get3A_292, %gather3A_287 : vector<16xf32>
      %mul3A_294 = arith.mulf %mul3A_293, %gather3A_288 : vector<16xf32>
      %add3A_295 = arith.addf %add3A_284, %mul3A_294 : vector<16xf32>
      %broadcast_in_dim3A_296 = arith.constant 11 : i32
      %broadcast_in_dim3A_297 = vector.broadcast %broadcast_in_dim3A_296 : i32 to vector<16xi32>
      %gather3A_298 = tpu.vector_load_idx %arg10[%add3A_176, %broadcast_in_dim3A_297] : memref<512x32xf32, #tpu.memory_space<vmem>>[vector<16xi32>, vector<16xi32>], vector<16xf32>,
      %gather3A_299 = tpu.vector_load_idx %arg11[%add3A_176, %broadcast_in_dim3A_297] : memref<512x32xf32, #tpu.memory_space<vmem>>[vector<16xi32>, vector<16xi32>], vector<16xf32>,
      %get3A_300 = arith.constant 11 : i32
      %get3A_301 = arith.index_cast %get3A_300 : i32 to index
      %get3A_302 = arith.constant 0 : index
      %get3A_303 = tpu.vector_load %arg12[%get3A_301, %get3A_302] {strides = array<i32>} : memref<33x16xf32, #tpu.memory_space<vmem>>, vector<16xf32>,
      %mul3A_304 = arith.mulf %get3A_303, %gather3A_298 : vector<16xf32>
      %mul3A_305 = arith.mulf %mul3A_304, %gather3A_299 : vector<16xf32>
      %add3A_306 = arith.addf %add3A_295, %mul3A_305 : vector<16xf32>
      %broadcast_in_dim3A_307 = arith.constant 12 : i32
      %broadcast_in_dim3A_308 = vector.broadcast %broadcast_in_dim3A_307 : i32 to vector<16xi32>
      %gather3A_309 = tpu.vector_load_idx %arg10[%add3A_176, %broadcast_in_dim3A_308] : memref<512x32xf32, #tpu.memory_space<vmem>>[vector<16xi32>, vector<16xi32>], vector<16xf32>,
      %gather3A_310 = tpu.vector_load_idx %arg11[%add3A_176, %broadcast_in_dim3A_308] : memref<512x32xf32, #tpu.memory_space<vmem>>[vector<16xi32>, vector<16xi32>], vector<16xf32>,
      %get3A_311 = arith.constant 12 : i32
      %get3A_312 = arith.index_cast %get3A_311 : i32 to index
      %get3A_313 = arith.constant 0 : index
      %get3A_314 = tpu.vector_load %arg12[%get3A_312, %get3A_313] {strides = array<i32>} : memref<33x16xf32, #tpu.memory_space<vmem>>, vector<16xf32>,
      %mul3A_315 = arith.mulf %get3A_314, %gather3A_309 : vector<16xf32>
      %mul3A_316 = arith.mulf %mul3A_315, %gather3A_310 : vector<16xf32>
      %add3A_317 = arith.addf %add3A_306, %mul3A_316 : vector<16xf32>
      %broadcast_in_dim3A_318 = arith.constant 13 : i32
      %broadcast_in_dim3A_319 = vector.broadcast %broadcast_in_dim3A_318 : i32 to vector<16xi32>
      %gather3A_320 = tpu.vector_load_idx %arg10[%add3A_176, %broadcast_in_dim3A_319] : memref<512x32xf32, #tpu.memory_space<vmem>>[vector<16xi32>, vector<16xi32>], vector<16xf32>,
      %gather3A_321 = tpu.vector_load_idx %arg11[%add3A_176, %broadcast_in_dim3A_319] : memref<512x32xf32, #tpu.memory_space<vmem>>[vector<16xi32>, vector<16xi32>], vector<16xf32>,
      %get3A_322 = arith.constant 13 : i32
      %get3A_323 = arith.index_cast %get3A_322 : i32 to index
      %get3A_324 = arith.constant 0 : index
      %get3A_325 = tpu.vector_load %arg12[%get3A_323, %get3A_324] {strides = array<i32>} : memref<33x16xf32, #tpu.memory_space<vmem>>, vector<16xf32>,
      %mul3A_326 = arith.mulf %get3A_325, %gather3A_320 : vector<16xf32>
      %mul3A_327 = arith.mulf %mul3A_326, %gather3A_321 : vector<16xf32>
      %add3A_328 = arith.addf %add3A_317, %mul3A_327 : vector<16xf32>
      %broadcast_in_dim3A_329 = arith.constant 14 : i32
      %broadcast_in_dim3A_330 = vector.broadcast %broadcast_in_dim3A_329 : i32 to vector<16xi32>
      %gather3A_331 = tpu.vector_load_idx %arg10[%add3A_176, %broadcast_in_dim3A_330] : memref<512x32xf32, #tpu.memory_space<vmem>>[vector<16xi32>, vector<16xi32>], vector<16xf32>,
      %gather3A_332 = tpu.vector_load_idx %arg11[%add3A_176, %broadcast_in_dim3A_330] : memref<512x32xf32, #tpu.memory_space<vmem>>[vector<16xi32>, vector<16xi32>], vector<16xf32>,
      %get3A_333 = arith.constant 14 : i32
      %get3A_334 = arith.index_cast %get3A_333 : i32 to index
      %get3A_335 = arith.constant 0 : index
      %get3A_336 = tpu.vector_load %arg12[%get3A_334, %get3A_335] {strides = array<i32>} : memref<33x16xf32, #tpu.memory_space<vmem>>, vector<16xf32>,
      %mul3A_337 = arith.mulf %get3A_336, %gather3A_331 : vector<16xf32>
      %mul3A_338 = arith.mulf %mul3A_337, %gather3A_332 : vector<16xf32>
      %add3A_339 = arith.addf %add3A_328, %mul3A_338 : vector<16xf32>
      %broadcast_in_dim3A_340 = arith.constant 15 : i32
      %broadcast_in_dim3A_341 = vector.broadcast %broadcast_in_dim3A_340 : i32 to vector<16xi32>
      %gather3A_342 = tpu.vector_load_idx %arg10[%add3A_176, %broadcast_in_dim3A_341] : memref<512x32xf32, #tpu.memory_space<vmem>>[vector<16xi32>, vector<16xi32>], vector<16xf32>,
      %gather3A_343 = tpu.vector_load_idx %arg11[%add3A_176, %broadcast_in_dim3A_341] : memref<512x32xf32, #tpu.memory_space<vmem>>[vector<16xi32>, vector<16xi32>], vector<16xf32>,
      %get3A_344 = arith.constant 15 : i32
      %get3A_345 = arith.index_cast %get3A_344 : i32 to index
      %get3A_346 = arith.constant 0 : index
      %get3A_347 = tpu.vector_load %arg12[%get3A_345, %get3A_346] {strides = array<i32>} : memref<33x16xf32, #tpu.memory_space<vmem>>, vector<16xf32>,
      %mul3A_348 = arith.mulf %get3A_347, %gather3A_342 : vector<16xf32>
      %mul3A_349 = arith.mulf %mul3A_348, %gather3A_343 : vector<16xf32>
      %add3A_350 = arith.addf %add3A_339, %mul3A_349 : vector<16xf32>
      %broadcast_in_dim3A_351 = arith.constant 16 : i32
      %broadcast_in_dim3A_352 = vector.broadcast %broadcast_in_dim3A_351 : i32 to vector<16xi32>
      %gather3A_353 = tpu.vector_load_idx %arg10[%add3A_176, %broadcast_in_dim3A_352] : memref<512x32xf32, #tpu.memory_space<vmem>>[vector<16xi32>, vector<16xi32>], vector<16xf32>,
      %gather3A_354 = tpu.vector_load_idx %arg11[%add3A_176, %broadcast_in_dim3A_352] : memref<512x32xf32, #tpu.memory_space<vmem>>[vector<16xi32>, vector<16xi32>], vector<16xf32>,
      %get3A_355 = arith.constant 16 : i32
      %get3A_356 = arith.index_cast %get3A_355 : i32 to index
      %get3A_357 = arith.constant 0 : index
      %get3A_358 = tpu.vector_load %arg12[%get3A_356, %get3A_357] {strides = array<i32>} : memref<33x16xf32, #tpu.memory_space<vmem>>, vector<16xf32>,
      %mul3A_359 = arith.mulf %get3A_358, %gather3A_353 : vector<16xf32>
      %mul3A_360 = arith.mulf %mul3A_359, %gather3A_354 : vector<16xf32>
      %add3A_361 = arith.addf %add3A_350, %mul3A_360 : vector<16xf32>
      %broadcast_in_dim3A_362 = arith.constant 17 : i32
      %broadcast_in_dim3A_363 = vector.broadcast %broadcast_in_dim3A_362 : i32 to vector<16xi32>
      %gather3A_364 = tpu.vector_load_idx %arg10[%add3A_176, %broadcast_in_dim3A_363] : memref<512x32xf32, #tpu.memory_space<vmem>>[vector<16xi32>, vector<16xi32>], vector<16xf32>,
      %gather3A_365 = tpu.vector_load_idx %arg11[%add3A_176, %broadcast_in_dim3A_363] : memref<512x32xf32, #tpu.memory_space<vmem>>[vector<16xi32>, vector<16xi32>], vector<16xf32>,
      %get3A_366 = arith.constant 17 : i32
      %get3A_367 = arith.index_cast %get3A_366 : i32 to index
      %get3A_368 = arith.constant 0 : index
      %get3A_369 = tpu.vector_load %arg12[%get3A_367, %get3A_368] {strides = array<i32>} : memref<33x16xf32, #tpu.memory_space<vmem>>, vector<16xf32>,
      %mul3A_370 = arith.mulf %get3A_369, %gather3A_364 : vector<16xf32>
      %mul3A_371 = arith.mulf %mul3A_370, %gather3A_365 : vector<16xf32>
      %add3A_372 = arith.addf %add3A_361, %mul3A_371 : vector<16xf32>
      %broadcast_in_dim3A_373 = arith.constant 18 : i32
      %broadcast_in_dim3A_374 = vector.broadcast %broadcast_in_dim3A_373 : i32 to vector<16xi32>
      %gather3A_375 = tpu.vector_load_idx %arg10[%add3A_176, %broadcast_in_dim3A_374] : memref<512x32xf32, #tpu.memory_space<vmem>>[vector<16xi32>, vector<16xi32>], vector<16xf32>,
      %gather3A_376 = tpu.vector_load_idx %arg11[%add3A_176, %broadcast_in_dim3A_374] : memref<512x32xf32, #tpu.memory_space<vmem>>[vector<16xi32>, vector<16xi32>], vector<16xf32>,
      %get3A_377 = arith.constant 18 : i32
      %get3A_378 = arith.index_cast %get3A_377 : i32 to index
      %get3A_379 = arith.constant 0 : index
      %get3A_380 = tpu.vector_load %arg12[%get3A_378, %get3A_379] {strides = array<i32>} : memref<33x16xf32, #tpu.memory_space<vmem>>, vector<16xf32>,
      %mul3A_381 = arith.mulf %get3A_380, %gather3A_375 : vector<16xf32>
      %mul3A_382 = arith.mulf %mul3A_381, %gather3A_376 : vector<16xf32>
      %add3A_383 = arith.addf %add3A_372, %mul3A_382 : vector<16xf32>
      %broadcast_in_dim3A_384 = arith.constant 19 : i32
      %broadcast_in_dim3A_385 = vector.broadcast %broadcast_in_dim3A_384 : i32 to vector<16xi32>
      %gather3A_386 = tpu.vector_load_idx %arg10[%add3A_176, %broadcast_in_dim3A_385] : memref<512x32xf32, #tpu.memory_space<vmem>>[vector<16xi32>, vector<16xi32>], vector<16xf32>,
      %gather3A_387 = tpu.vector_load_idx %arg11[%add3A_176, %broadcast_in_dim3A_385] : memref<512x32xf32, #tpu.memory_space<vmem>>[vector<16xi32>, vector<16xi32>], vector<16xf32>,
      %get3A_388 = arith.constant 19 : i32
      %get3A_389 = arith.index_cast %get3A_388 : i32 to index
      %get3A_390 = arith.constant 0 : index
      %get3A_391 = tpu.vector_load %arg12[%get3A_389, %get3A_390] {strides = array<i32>} : memref<33x16xf32, #tpu.memory_space<vmem>>, vector<16xf32>,
      %mul3A_392 = arith.mulf %get3A_391, %gather3A_386 : vector<16xf32>
      %mul3A_393 = arith.mulf %mul3A_392, %gather3A_387 : vector<16xf32>
      %add3A_394 = arith.addf %add3A_383, %mul3A_393 : vector<16xf32>
      %broadcast_in_dim3A_395 = arith.constant 20 : i32
      %broadcast_in_dim3A_396 = vector.broadcast %broadcast_in_dim3A_395 : i32 to vector<16xi32>
      %gather3A_397 = tpu.vector_load_idx %arg10[%add3A_176, %broadcast_in_dim3A_396] : memref<512x32xf32, #tpu.memory_space<vmem>>[vector<16xi32>, vector<16xi32>], vector<16xf32>,
      %gather3A_398 = tpu.vector_load_idx %arg11[%add3A_176, %broadcast_in_dim3A_396] : memref<512x32xf32, #tpu.memory_space<vmem>>[vector<16xi32>, vector<16xi32>], vector<16xf32>,
      %get3A_399 = arith.constant 20 : i32
      %get3A_400 = arith.index_cast %get3A_399 : i32 to index
      %get3A_401 = arith.constant 0 : index
      %get3A_402 = tpu.vector_load %arg12[%get3A_400, %get3A_401] {strides = array<i32>} : memref<33x16xf32, #tpu.memory_space<vmem>>, vector<16xf32>,
      %mul3A_403 = arith.mulf %get3A_402, %gather3A_397 : vector<16xf32>
      %mul3A_404 = arith.mulf %mul3A_403, %gather3A_398 : vector<16xf32>
      %add3A_405 = arith.addf %add3A_394, %mul3A_404 : vector<16xf32>
      %broadcast_in_dim3A_406 = arith.constant 21 : i32
      %broadcast_in_dim3A_407 = vector.broadcast %broadcast_in_dim3A_406 : i32 to vector<16xi32>
      %gather3A_408 = tpu.vector_load_idx %arg10[%add3A_176, %broadcast_in_dim3A_407] : memref<512x32xf32, #tpu.memory_space<vmem>>[vector<16xi32>, vector<16xi32>], vector<16xf32>,
      %gather3A_409 = tpu.vector_load_idx %arg11[%add3A_176, %broadcast_in_dim3A_407] : memref<512x32xf32, #tpu.memory_space<vmem>>[vector<16xi32>, vector<16xi32>], vector<16xf32>,
      %get3A_410 = arith.constant 21 : i32
      %get3A_411 = arith.index_cast %get3A_410 : i32 to index
      %get3A_412 = arith.constant 0 : index
      %get3A_413 = tpu.vector_load %arg12[%get3A_411, %get3A_412] {strides = array<i32>} : memref<33x16xf32, #tpu.memory_space<vmem>>, vector<16xf32>,
      %mul3A_414 = arith.mulf %get3A_413, %gather3A_408 : vector<16xf32>
      %mul3A_415 = arith.mulf %mul3A_414, %gather3A_409 : vector<16xf32>
      %add3A_416 = arith.addf %add3A_405, %mul3A_415 : vector<16xf32>
      %broadcast_in_dim3A_417 = arith.constant 22 : i32
      %broadcast_in_dim3A_418 = vector.broadcast %broadcast_in_dim3A_417 : i32 to vector<16xi32>
      %gather3A_419 = tpu.vector_load_idx %arg10[%add3A_176, %broadcast_in_dim3A_418] : memref<512x32xf32, #tpu.memory_space<vmem>>[vector<16xi32>, vector<16xi32>], vector<16xf32>,
      %gather3A_420 = tpu.vector_load_idx %arg11[%add3A_176, %broadcast_in_dim3A_418] : memref<512x32xf32, #tpu.memory_space<vmem>>[vector<16xi32>, vector<16xi32>], vector<16xf32>,
      %get3A_421 = arith.constant 22 : i32
      %get3A_422 = arith.index_cast %get3A_421 : i32 to index
      %get3A_423 = arith.constant 0 : index
      %get3A_424 = tpu.vector_load %arg12[%get3A_422, %get3A_423] {strides = array<i32>} : memref<33x16xf32, #tpu.memory_space<vmem>>, vector<16xf32>,
      %mul3A_425 = arith.mulf %get3A_424, %gather3A_419 : vector<16xf32>
      %mul3A_426 = arith.mulf %mul3A_425, %gather3A_420 : vector<16xf32>
      %add3A_427 = arith.addf %add3A_416, %mul3A_426 : vector<16xf32>
      %broadcast_in_dim3A_428 = arith.constant 23 : i32
      %broadcast_in_dim3A_429 = vector.broadcast %broadcast_in_dim3A_428 : i32 to vector<16xi32>
      %gather3A_430 = tpu.vector_load_idx %arg10[%add3A_176, %broadcast_in_dim3A_429] : memref<512x32xf32, #tpu.memory_space<vmem>>[vector<16xi32>, vector<16xi32>], vector<16xf32>,
      %gather3A_431 = tpu.vector_load_idx %arg11[%add3A_176, %broadcast_in_dim3A_429] : memref<512x32xf32, #tpu.memory_space<vmem>>[vector<16xi32>, vector<16xi32>], vector<16xf32>,
      %get3A_432 = arith.constant 23 : i32
      %get3A_433 = arith.index_cast %get3A_432 : i32 to index
      %get3A_434 = arith.constant 0 : index
      %get3A_435 = tpu.vector_load %arg12[%get3A_433, %get3A_434] {strides = array<i32>} : memref<33x16xf32, #tpu.memory_space<vmem>>, vector<16xf32>,
      %mul3A_436 = arith.mulf %get3A_435, %gather3A_430 : vector<16xf32>
      %mul3A_437 = arith.mulf %mul3A_436, %gather3A_431 : vector<16xf32>
      %add3A_438 = arith.addf %add3A_427, %mul3A_437 : vector<16xf32>
      %broadcast_in_dim3A_439 = arith.constant 24 : i32
      %broadcast_in_dim3A_440 = vector.broadcast %broadcast_in_dim3A_439 : i32 to vector<16xi32>
      %gather3A_441 = tpu.vector_load_idx %arg10[%add3A_176, %broadcast_in_dim3A_440] : memref<512x32xf32, #tpu.memory_space<vmem>>[vector<16xi32>, vector<16xi32>], vector<16xf32>,
      %gather3A_442 = tpu.vector_load_idx %arg11[%add3A_176, %broadcast_in_dim3A_440] : memref<512x32xf32, #tpu.memory_space<vmem>>[vector<16xi32>, vector<16xi32>], vector<16xf32>,
      %get3A_443 = arith.constant 24 : i32
      %get3A_444 = arith.index_cast %get3A_443 : i32 to index
      %get3A_445 = arith.constant 0 : index
      %get3A_446 = tpu.vector_load %arg12[%get3A_444, %get3A_445] {strides = array<i32>} : memref<33x16xf32, #tpu.memory_space<vmem>>, vector<16xf32>,
      %mul3A_447 = arith.mulf %get3A_446, %gather3A_441 : vector<16xf32>
      %mul3A_448 = arith.mulf %mul3A_447, %gather3A_442 : vector<16xf32>
      %add3A_449 = arith.addf %add3A_438, %mul3A_448 : vector<16xf32>
      %broadcast_in_dim3A_450 = arith.constant 25 : i32
      %broadcast_in_dim3A_451 = vector.broadcast %broadcast_in_dim3A_450 : i32 to vector<16xi32>
      %gather3A_452 = tpu.vector_load_idx %arg10[%add3A_176, %broadcast_in_dim3A_451] : memref<512x32xf32, #tpu.memory_space<vmem>>[vector<16xi32>, vector<16xi32>], vector<16xf32>,
      %gather3A_453 = tpu.vector_load_idx %arg11[%add3A_176, %broadcast_in_dim3A_451] : memref<512x32xf32, #tpu.memory_space<vmem>>[vector<16xi32>, vector<16xi32>], vector<16xf32>,
      %get3A_454 = arith.constant 25 : i32
      %get3A_455 = arith.index_cast %get3A_454 : i32 to index
      %get3A_456 = arith.constant 0 : index
      %get3A_457 = tpu.vector_load %arg12[%get3A_455, %get3A_456] {strides = array<i32>} : memref<33x16xf32, #tpu.memory_space<vmem>>, vector<16xf32>,
      %mul3A_458 = arith.mulf %get3A_457, %gather3A_452 : vector<16xf32>
      %mul3A_459 = arith.mulf %mul3A_458, %gather3A_453 : vector<16xf32>
      %add3A_460 = arith.addf %add3A_449, %mul3A_459 : vector<16xf32>
      %broadcast_in_dim3A_461 = arith.constant 26 : i32
      %broadcast_in_dim3A_462 = vector.broadcast %broadcast_in_dim3A_461 : i32 to vector<16xi32>
      %gather3A_463 = tpu.vector_load_idx %arg10[%add3A_176, %broadcast_in_dim3A_462] : memref<512x32xf32, #tpu.memory_space<vmem>>[vector<16xi32>, vector<16xi32>], vector<16xf32>,
      %gather3A_464 = tpu.vector_load_idx %arg11[%add3A_176, %broadcast_in_dim3A_462] : memref<512x32xf32, #tpu.memory_space<vmem>>[vector<16xi32>, vector<16xi32>], vector<16xf32>,
      %get3A_465 = arith.constant 26 : i32
      %get3A_466 = arith.index_cast %get3A_465 : i32 to index
      %get3A_467 = arith.constant 0 : index
      %get3A_468 = tpu.vector_load %arg12[%get3A_466, %get3A_467] {strides = array<i32>} : memref<33x16xf32, #tpu.memory_space<vmem>>, vector<16xf32>,
      %mul3A_469 = arith.mulf %get3A_468, %gather3A_463 : vector<16xf32>
      %mul3A_470 = arith.mulf %mul3A_469, %gather3A_464 : vector<16xf32>
      %add3A_471 = arith.addf %add3A_460, %mul3A_470 : vector<16xf32>
      %broadcast_in_dim3A_472 = arith.constant 27 : i32
      %broadcast_in_dim3A_473 = vector.broadcast %broadcast_in_dim3A_472 : i32 to vector<16xi32>
      %gather3A_474 = tpu.vector_load_idx %arg10[%add3A_176, %broadcast_in_dim3A_473] : memref<512x32xf32, #tpu.memory_space<vmem>>[vector<16xi32>, vector<16xi32>], vector<16xf32>,
      %gather3A_475 = tpu.vector_load_idx %arg11[%add3A_176, %broadcast_in_dim3A_473] : memref<512x32xf32, #tpu.memory_space<vmem>>[vector<16xi32>, vector<16xi32>], vector<16xf32>,
      %get3A_476 = arith.constant 27 : i32
      %get3A_477 = arith.index_cast %get3A_476 : i32 to index
      %get3A_478 = arith.constant 0 : index
      %get3A_479 = tpu.vector_load %arg12[%get3A_477, %get3A_478] {strides = array<i32>} : memref<33x16xf32, #tpu.memory_space<vmem>>, vector<16xf32>,
      %mul3A_480 = arith.mulf %get3A_479, %gather3A_474 : vector<16xf32>
      %mul3A_481 = arith.mulf %mul3A_480, %gather3A_475 : vector<16xf32>
      %add3A_482 = arith.addf %add3A_471, %mul3A_481 : vector<16xf32>
      %broadcast_in_dim3A_483 = arith.constant 28 : i32
      %broadcast_in_dim3A_484 = vector.broadcast %broadcast_in_dim3A_483 : i32 to vector<16xi32>
      %gather3A_485 = tpu.vector_load_idx %arg10[%add3A_176, %broadcast_in_dim3A_484] : memref<512x32xf32, #tpu.memory_space<vmem>>[vector<16xi32>, vector<16xi32>], vector<16xf32>,
      %gather3A_486 = tpu.vector_load_idx %arg11[%add3A_176, %broadcast_in_dim3A_484] : memref<512x32xf32, #tpu.memory_space<vmem>>[vector<16xi32>, vector<16xi32>], vector<16xf32>,
      %get3A_487 = arith.constant 28 : i32
      %get3A_488 = arith.index_cast %get3A_487 : i32 to index
      %get3A_489 = arith.constant 0 : index
      %get3A_490 = tpu.vector_load %arg12[%get3A_488, %get3A_489] {strides = array<i32>} : memref<33x16xf32, #tpu.memory_space<vmem>>, vector<16xf32>,
      %mul3A_491 = arith.mulf %get3A_490, %gather3A_485 : vector<16xf32>
      %mul3A_492 = arith.mulf %mul3A_491, %gather3A_486 : vector<16xf32>
      %add3A_493 = arith.addf %add3A_482, %mul3A_492 : vector<16xf32>
      %broadcast_in_dim3A_494 = arith.constant 29 : i32
      %broadcast_in_dim3A_495 = vector.broadcast %broadcast_in_dim3A_494 : i32 to vector<16xi32>
      %gather3A_496 = tpu.vector_load_idx %arg10[%add3A_176, %broadcast_in_dim3A_495] : memref<512x32xf32, #tpu.memory_space<vmem>>[vector<16xi32>, vector<16xi32>], vector<16xf32>,
      %gather3A_497 = tpu.vector_load_idx %arg11[%add3A_176, %broadcast_in_dim3A_495] : memref<512x32xf32, #tpu.memory_space<vmem>>[vector<16xi32>, vector<16xi32>], vector<16xf32>,
      %get3A_498 = arith.constant 29 : i32
      %get3A_499 = arith.index_cast %get3A_498 : i32 to index
      %get3A_500 = arith.constant 0 : index
      %get3A_501 = tpu.vector_load %arg12[%get3A_499, %get3A_500] {strides = array<i32>} : memref<33x16xf32, #tpu.memory_space<vmem>>, vector<16xf32>,
      %mul3A_502 = arith.mulf %get3A_501, %gather3A_496 : vector<16xf32>
      %mul3A_503 = arith.mulf %mul3A_502, %gather3A_497 : vector<16xf32>
      %add3A_504 = arith.addf %add3A_493, %mul3A_503 : vector<16xf32>
      %broadcast_in_dim3A_505 = arith.constant 30 : i32
      %broadcast_in_dim3A_506 = vector.broadcast %broadcast_in_dim3A_505 : i32 to vector<16xi32>
      %gather3A_507 = tpu.vector_load_idx %arg10[%add3A_176, %broadcast_in_dim3A_506] : memref<512x32xf32, #tpu.memory_space<vmem>>[vector<16xi32>, vector<16xi32>], vector<16xf32>,
      %gather3A_508 = tpu.vector_load_idx %arg11[%add3A_176, %broadcast_in_dim3A_506] : memref<512x32xf32, #tpu.memory_space<vmem>>[vector<16xi32>, vector<16xi32>], vector<16xf32>,
      %get3A_509 = arith.constant 30 : i32
      %get3A_510 = arith.index_cast %get3A_509 : i32 to index
      %get3A_511 = arith.constant 0 : index
      %get3A_512 = tpu.vector_load %arg12[%get3A_510, %get3A_511] {strides = array<i32>} : memref<33x16xf32, #tpu.memory_space<vmem>>, vector<16xf32>,
      %mul3A_513 = arith.mulf %get3A_512, %gather3A_507 : vector<16xf32>
      %mul3A_514 = arith.mulf %mul3A_513, %gather3A_508 : vector<16xf32>
      %add3A_515 = arith.addf %add3A_504, %mul3A_514 : vector<16xf32>
      %broadcast_in_dim3A_516 = arith.constant 31 : i32
      %broadcast_in_dim3A_517 = vector.broadcast %broadcast_in_dim3A_516 : i32 to vector<16xi32>
      %gather3A_518 = tpu.vector_load_idx %arg10[%add3A_176, %broadcast_in_dim3A_517] : memref<512x32xf32, #tpu.memory_space<vmem>>[vector<16xi32>, vector<16xi32>], vector<16xf32>,
      %gather3A_519 = tpu.vector_load_idx %arg11[%add3A_176, %broadcast_in_dim3A_517] : memref<512x32xf32, #tpu.memory_space<vmem>>[vector<16xi32>, vector<16xi32>], vector<16xf32>,
      %get3A_520 = arith.constant 31 : i32
      %get3A_521 = arith.index_cast %get3A_520 : i32 to index
      %get3A_522 = arith.constant 0 : index
      %get3A_523 = tpu.vector_load %arg12[%get3A_521, %get3A_522] {strides = array<i32>} : memref<33x16xf32, #tpu.memory_space<vmem>>, vector<16xf32>,
      %mul3A_524 = arith.mulf %get3A_523, %gather3A_518 : vector<16xf32>
      %mul3A_525 = arith.mulf %mul3A_524, %gather3A_519 : vector<16xf32>
      %add3A_526 = arith.addf %add3A_515, %mul3A_525 : vector<16xf32>
      %neg3A = arith.constant 0.000000e+00 : f32
      %neg3A_527 = vector.broadcast %neg3A : f32 to vector<16xf32>
      %neg3A_528 = arith.subf %neg3A_527, %add3A_526 : vector<16xf32>
      %exp3A = math.exp %neg3A_528 : vector<16xf32>
      %add3A_529 = arith.constant 1.000000e+00 : f32
      %add3A_530 = vector.broadcast %add3A_529 : f32 to vector<16xf32>
      %add3A_531 = arith.addf %add3A_530, %exp3A : vector<16xf32>
      %div3A = arith.constant 1.000000e+00 : f32
      %div3A_532 = vector.broadcast %div3A : f32 to vector<16xf32>
      %div3A_533 = arith.divf %div3A_532, %add3A_531 : vector<16xf32>
      %mul3A_534 = arith.constant 16 : i32
      %mul3A_535 = arith.muli %add3A_172, %mul3A_534 : i32
      %swap3A = arith.index_cast %mul3A_535 : i32 to index
      %swap3A_536 = tpu.vector_load %arg13[%swap3A] {strides = array<i32>} : memref<512xf32, #tpu.memory_space<vmem>>, vector<16xf32>,
      tpu.vector_store %arg13[%swap3A], %div3A_533 {strides = array<i32>} : memref<512xf32, #tpu.memory_space<vmem>>, vector<16xf32>,
    }
    %scan3A_165 = arith.constant 32 : i32
    %mul3A_166 = arith.constant 512 : i32
    %mul3A_167 = arith.muli %add3A, %mul3A_166 : i32
    "tpu.region"() ({
      %run_scoped3A = tpu.sem_alloc : memref<!tpu.dma_semaphore, #tpu.memory_space<semaphore_mem>>
      %dma_start3A_168 = tpu.memref_slice %arg7[%mul3A_167] : memref<16384xf32, #tpu.memory_space<hbm>> -> memref<512xf32, #tpu.memory_space<hbm>>
      %dma_start3A_169 = tpu.memref_slice %arg7[%mul3A_167] : memref<16384xf32, #tpu.memory_space<hbm>> -> memref<512xf32, #tpu.memory_space<hbm>>
      tpu.enqueue_dma source(%arg13 : memref<512xf32, #tpu.memory_space<vmem>>) target(%dma_start3A_169 : memref<512xf32, #tpu.memory_space<hbm>>) target_semaphore(%run_scoped3A : memref<!tpu.dma_semaphore, #tpu.memory_space<semaphore_mem>>)
      %dma_wait3A_170 = tpu.memref_slice %arg7[%mul3A_167] : memref<16384xf32, #tpu.memory_space<hbm>> -> memref<512xf32, #tpu.memory_space<hbm>>
      %dma_wait3A_171 = tpu.memref_slice %arg7[%mul3A_167] : memref<16384xf32, #tpu.memory_space<hbm>> -> memref<512xf32, #tpu.memory_space<hbm>>
      tpu.wait_dma2 semaphore(%run_scoped3A : memref<!tpu.dma_semaphore, #tpu.memory_space<semaphore_mem>>) src(%arg13 : memref<512xf32, #tpu.memory_space<vmem>>) dst(%dma_wait3A_171 : memref<512xf32, #tpu.memory_space<hbm>>)
      tpu.yield
    }) : () -> ()
    return
  }
}

</mosaic_0001>

<sc_bundles>
// kernel: _gmf_sc.3.cloned.1.call-start
scs
__scs_entry_jumppad:
0x0: {  	(pc) =	sbr.rel $0x88, $3  }
0x1: {  	(tag) =	ssettag $0x0;
	lr =	simm.s32 $0x1  }
0x2: {  	[smem:$0x3F9C] =	sst lr;
	_ =	strace $0xD0000000  }
0x3: {  	_ = 	snop  }
0x4: {  	_ = 	snop  }
0x5: {  	_ = 	snop  }
0x6: {  	_ = 	snop  }
0x7: {  	_ = 	snop  }
__scs_overlays_trampoline_lowered:
0x8: {  	[smem:$0x3FAB] =	sst s0  }
0x9: {  	[smem:$0x3FAC] =	sst s1  }
0xa: {  	[smem:$0x3FAD] =	sst s2  }
0xb: {  	[smem:$0x3FAE] =	sst s3  }
0xc: {  	[smem:$0x3FAF] =	sst s4  }
0xd: {  	[smem:$0x3FB0] =	sst s5  }
0xe: {  	[smem:$0x3FB1] =	sst s6  }
0xf: {  	[smem:$0x3FB2] =	sst s7  }
0x10: {  	[smem:$0x3FB3] =	sst s8  }
0x11: {  	[smem:$0x3FB4] =	sst s9;
	s0 =	simm.s32 @!p0 $0x0  }
0x12: {  	s1 =	sld [smem:$0x3F9A];
	s0 =	simm.s32 @p0 $0x1  }
0x13: {  	[smem:$0x3FB5] =	sst s0;
	s0 =	simm.s32 @!p1 $0x0  }
0x14: {  	s2 =	sld [smem:$0x3F99];
	s0 =	simm.s32 @p1 $0x1  }
0x15: {  	[smem:$0x3FB6] =	sst s0;
	s0 =	simm.s32 @!p2 $0x0  }
0x16: {  	s3 =	sld [smem:$0x3FDB];
	s0 =	simm.s32 @p2 $0x1  }
0x17: {  	s4 =	simm.s32 $0x1BF5;
	[smem:$0x3FB8] =	sst s0  }
0x18: {  	s0 =	sld [smem:$0x3F9B];
	_ =	swait.ge [sflag:s4], $0x0  }
0x19: {  	s7 =	sld [smem:$0x3F9C]  }
0x1a: {  	s8 =	sadd.s32 $0xFFFFE003, lr  }
0x1b: {  	s9 =	sadd.s32 $0xFFFFFEF7, lr;
	s5 =	simm.s32 $0xFFFFFFFF;
	p2 =	slt.u32 s8, $0xFFFFF086  }
0x1c: {  	p1 =	slt.u32 s9, $0xF7A;
	s5 =	simm.s32 @!p2 $0x0  }
0x1d: {  	s5 =	simm.s32 @p1 $0x1;
	p0 =	seq.s32 s7, s2  }
0x1e: {  	s7 =	smul.u32 @!p0 $0xF7A, s2;
	p2 =	seq.s32 @!p0 s5, $0x0  }
0x1f: {  	s9 =	smul.u32 $0xF7A, s1;
	s8 =	simm.s32 @!p0 $0x1BF5;
	p2 =	por !p2, p0  }
0x20: {  	[sflag:s8] =	ssyncset.s32 @!p0 $0xFFFFF086;
	s6 =	sadd.s32 @!p0 s3, s7;
	s7 =	simm.s32 @!p0 $0x108  }
0x21: {  	s3 =	sadd.s32 s3, s9;
	s6 =	sadd.s32 @!p0 $0x88, s6;
	s7 =	simm.s32 @p2 $0x1082  }
0x22: {  	[simem:s7], [sflag:s8] =	dma.local @!p0 [hbm:s6], $0xF7A  }
0x23: {  	s9 =	sor.u32 $0xD0000000, s2;
	s6 =	simm.s32 $0x108;
	_ =	swait.ge @!p0 [sflag:s8], $0x0  }
0x24: {  	s3 =	sadd.s32 $0x88, s3;
	s6 =	simm.s32 @!p1 $0x1082;
	[sflag:s4] =	ssyncset.s32 $0xFFFFF086  }
0x25: {  	[simem:s6], [sflag:s4] =	dma.local [hbm:s3], $0xF7A  }
0x26: {  	[smem:$0x3F9C] =	sst s1;
	(tag) =	ssettag s2;
	_ =	strace s9  }
0x27: {  	s1 =	sld [smem:$0x3FAC]  }
0x28: {  	s2 =	sld [smem:$0x3FAD]  }
0x29: {  	s4 =	sld [smem:$0x3FAF]  }
0x2a: {  	p0 =	seq.s32 s5, $0x0;
	s5 =	sld [smem:$0x3FB0]  }
0x2b: {  	s6 =	sld [smem:$0x3FB1]  }
0x2c: {  	s7 =	sld [smem:$0x3FB2]  }
0x2d: {  	s3 =	simm.s32 $0x108;
	s8 =	sld [smem:$0x3FB3]  }
0x2e: {  	s3 =	simm.s32 @!p0 $0x1082;
	s9 =	sld [smem:$0x3FB4]  }
0x2f: {  	lr =	sadd.s32 s0, s3;
	s0 =	sld [smem:$0x3FAB]  }
0x30: {  	s3 =	sld [smem:$0x3FAE]  }
0x31: {  	[smem:$0x3FB7] =	sst s10  }
0x32: {  	s10 =	sld [smem:$0x3FB5];
	_ =	sdelay $0x3  }
0x33: {  	p0 =	seq.s32 s10, $0x1;
	s10 =	sld [smem:$0x3FB7];
	_ =	sdelay $0x3  }
0x34: {  	[smem:$0x3FB7] =	sst s10  }
0x35: {  	s10 =	sld [smem:$0x3FB6];
	_ =	sdelay $0x3  }
0x36: {  	p1 =	seq.s32 s10, $0x1;
	s10 =	sld [smem:$0x3FB7];
	_ =	sdelay $0x3  }
0x37: {  	[smem:$0x3FB7] =	sst s10  }
0x38: {  	s10 =	sld [smem:$0x3FB8]  }
0x39: {  	_ = 	snop;
	(pc) =	sbr.ind lr, $3  }
0x3a: {  	_ = 	snop  }
0x3b: {  	_ = 	snop  }
0x3c: {  	p2 =	seq.s32 s10, $0x1;
	s10 =	sld [smem:$0x3FB7]  }
0x3d: {  	_ =	shalt  }
0x3e: {  	_ =	shalt  }
0x3f: {  	_ =	shalt  }
0x40: {  	_ =	shalt  }
0x41: {  	_ =	shalt  }
0x42: {  	_ =	shalt  }
0x43: {  	_ =	shalt  }
0x44: {  	_ =	shalt  }
0x45: {  	_ =	shalt  }
0x46: {  	_ =	shalt  }
0x47: {  	_ =	shalt  }
0x48: {  	_ =	shalt  }
0x49: {  	_ =	shalt  }
0x4a: {  	_ =	shalt  }
0x4b: {  	_ =	shalt  }
0x4c: {  	_ =	shalt  }
0x4d: {  	_ =	shalt  }
0x4e: {  	_ =	shalt  }
0x4f: {  	_ =	shalt  }
0x50: {  	_ =	shalt  }
0x51: {  	_ =	shalt  }
0x52: {  	_ =	shalt  }
0x53: {  	_ =	shalt  }
0x54: {  	_ =	shalt  }
0x55: {  	_ =	shalt  }
0x56: {  	_ =	shalt  }
0x57: {  	_ =	shalt  }
0x58: {  	_ =	shalt  }
0x59: {  	_ =	shalt  }
0x5a: {  	_ =	shalt  }
0x5b: {  	_ =	shalt  }
0x5c: {  	_ =	shalt  }
0x5d: {  	_ =	shalt  }
0x5e: {  	_ =	shalt  }
0x5f: {  	_ =	shalt  }
0x60: {  	_ =	shalt  }
0x61: {  	_ =	shalt  }
0x62: {  	_ =	shalt  }
0x63: {  	_ =	shalt  }
0x64: {  	_ =	shalt  }
0x65: {  	_ =	shalt  }
0x66: {  	_ =	shalt  }
0x67: {  	_ =	shalt  }
0x68: {  	_ =	shalt  }
0x69: {  	_ =	shalt  }
0x6a: {  	_ =	shalt  }
0x6b: {  	_ =	shalt  }
0x6c: {  	_ =	shalt  }
0x6d: {  	_ =	shalt  }
0x6e: {  	_ =	shalt  }
0x6f: {  	_ =	shalt  }
0x70: {  	_ =	shalt  }
0x71: {  	_ =	shalt  }
0x72: {  	_ =	shalt  }
0x73: {  	_ =	shalt  }
0x74: {  	_ =	shalt  }
0x75: {  	_ =	shalt  }
0x76: {  	_ =	shalt  }
0x77: {  	_ =	shalt  }
0x78: {  	_ =	shalt  }
0x79: {  	_ =	shalt  }
0x7a: {  	_ =	shalt  }
0x7b: {  	_ =	shalt  }
0x7c: {  	_ =	shalt  }
0x7d: {  	_ =	shalt  }
0x7e: {  	_ =	shalt  }
0x7f: {  	_ =	shalt  }
0x80: {  	_ =	shalt  }
0x81: {  	_ =	shalt  }
0x82: {  	_ =	shalt  }
0x83: {  	_ =	shalt  }
0x84: {  	_ =	shalt  }
0x85: {  	_ =	shalt  }
0x86: {  	_ =	shalt  }
0x87: {  	_ =	shalt  }
.Lfunc_end0:
.L_simem_size_0:
called_computation_lowered:
.L_overlay_start_0:
0x88: {  	s2 =	sld [smem:$0x3FD9]  }
0x89: {  	s3 =	sld [smem:$0x3FFE];
	_ =	sdelay $0x1  }
0x8a: {  	s1 =	srdreg.scid  }
0x8b: {  	s0 =	sand.u32 $0x1, s1  }
0x8c: {  	s17 =	sshll.u32 s0, $0xA;
	s2 =	sadd.s32 s3, s2  }
0x8d: {  	s2 =	sadd.s32 s2, s17  }
0x8e: {  	[smem:$0x3FC3] =	sst s2  }
0x8f: {  	_ = 	snop  }
0x90: {  	s2 =	sld [smem:$0x3FC7]  }
0x91: {  	s18 =	sld [smem:$0x3FC6]  }
0x92: {  	s4 =	sld [smem:$0x3FD0];
	(tm) =	ssettm $0x1  }
0x93: {  	s5 =	sld [smem:$0x3FFB];
	_ =	sdelay $0x3  }
0x94: {  	_ =	strace s5  }
0x95: {  	s5 =	sld [smem:$0x3FFC];
	_ =	sdelay $0x3  }
0x96: {  	_ =	strace s5  }
0x97: {  	s5 =	sld [smem:$0x3FFD];
	_ =	sdelay $0x3  }
0x98: {  	_ =	strace s5  }
0x99: {  	_ =	strace $0x8FFFFFFF  }
0x9a: {  	s19 =	sld [smem:$0x3FDB];
	_ =	sdelay $0x1  }
0x9b: {  	s6 =	simm.s32 $_scs_section_size  }
0x9c: {  	s7 =	simm.s32 $_size__tile_overlayer_lowered;
	s8 =	simm.s32 $_tile_overlayer_lowered  }
0x9d: {  	s22 =	simm.s32 $0x1BFF;
	s21 =	sshll.u32 s8, $0x1;
	s5 =	sadd.s32 s6, s19  }
0x9e: {  	s9 =	simm.s32 $0x0;
	s20 =	sshll.u32 s7, $0x1;
	s7 =	sadd.s32 s21, s5  }
0x9f: {  	[timem:s9], [sflag:s22] =	dma.local [hbm:s7], s20  }
0xa0: {  	_ =	swait.ge [sflag:s22], s20  }
0xa1: {  	s6 =	ssub.s32 $0x0, s20;
	[sflag:s22] =	ssyncset.done $0x0  }
0xa2: {  	[sflag:s22] =	ssyncadd.s32 s6;
	_ =	sdelay $0x1  }
0xa3: {  	s23 =	simm.s32 $0x1B8B  }
0xa4: {  	_ =	swait.ge [sflag:s23], $0x1  }
0xa5: {  	[sflag:s23] =	ssyncset.done $0x0  }
0xa6: {  	s25 =	simm.s32 $0x1B8E;
	s24 =	sld [smem:$0x3FFE];
	[sflag:s23] =	ssyncadd.s32 $0xFFFFFFFF  }
0xa7: {  	s26 =	simm.s32 $execute0_lowered;
	[smem:$0x3FD2] =	sst s25  }
0xa8: {  	s7 =	sshll.u32 s26, $0x1;
	_ =	strace $0x80000046;
	[dreg:$0x1] =	wrdreg $0xFFFFFFFF  }
0xa9: {  	s28 =	simm.s32 $_size_execute0_lowered;
	s5 =	sadd.s32 s5, s7;
	[dreg:$0x0] =	wrdreg $0x0  }
0xaa: {  	s7 =	sshll.u32 s28, $0x1;
	[dreg:$0x2] =	wrdreg s5  }
0xab: {  	[dreg:$0x3] =	wrdreg s7  }
0xac: {  	[dreg:$0x4] =	wrdreg $0xC0  }
0xad: {  	_ =	task [dreg:s9], $0x5FFFF  }
0xae: {  	[dreg:$0x1] =	wrdreg $0xFFFFFFFF  }
0xaf: {  	[dreg:$0x0] =	wrdreg $0x60  }
0xb0: {  	[dreg:$0x2] =	wrdreg s24  }
0xb1: {  	[dreg:$0x3] =	wrdreg s2  }
0xb2: {  	[dreg:$0x4] =	wrdreg s18  }
0xb3: {  	[dreg:$0x5] =	wrdreg s4  }
0xb4: {  	[dreg:$0x6] =	wrdreg $0x9  }
0xb5: {  	_ =	task.clear_ibuf [dreg:s9], $0x7FFFF;
	_ =	strace $0x90000046  }
0xb6: {  	s29 =	simm.s32 $0x9;
	_ =	strace $0x80000048  }
0xb7: {  	_ =	swait.ge [sflag:s29], $0x1  }
0xb8: {  	[sflag:s29] =	ssyncadd.s32 $0xFFFFFFFF  }
0xb9: {  	_ =	strace $0x90000048  }
0xba: {  	_ =	sfence  }
0xbb: {  	s30 =	sld [smem:$0x0];
	_ =	sdelay $0x2  }
0xbc: {  	s31 =	sshll.u32 s1, $0xD;
	s1 =	sshrl.u32 s1, $0x2  }
0xbd: {  	s3 =	sand.u32 $0x4000, s31;
	s1 =	sadd.s32 s1, s30  }
0xbe: {  	s0 =	sor.u32 s3, s0;
	s1 =	sshll.u32 s1, $0x11  }
0xbf: {  	s0 =	sor.u32 s1, s0  }
0xc0: {  	s0 =	sadd.s32 $0x8F2B, s0  }
0xc1: {  	[sflag:s0] =	ssyncadd.remote.s32 $0x1  }
0xc2: {  	_ =	sfence.sel $0xFFFF  }
0xc3: {  	[dreg:$0x0] =	wrdreg $0xFFFFFFFF;
	(pc) =	sbr.abs _section_cstart, $3  }
0xc4: {  	[dreg:$0x1] =	wrdreg $0xFFFFFFFF  }
0xc5: {  	_ =	task.clear_ibuf [dreg:s9], $0x2FFFF;
	_ =	strace $0x9FFFFFFF  }
0xc6: {  	(tm) =	ssettm $0x7FFFFFFF  }
0xc7: {  	_ =	shalt  }
tec
execute0_lowered:
.L_overlay_start_1:
0x0: {  	(tag) =	ssettag $0x1  }
0x1: {  	s0 =	rddreg [dreg:$0x0]  }
0x2: {  	s6 =	rddreg [dreg:$0x1]  }
0x3: {  	s7 =	rddreg [dreg:$0x2]  }
0x4: {  	s8 =	rddreg [dreg:$0x3]  }
0x5: {  	s1 =	simm.s32 $0x0;
	s2 =	srdreg.scid;
	s13 =	simm.s32 $0x80  }
0x6: {  	s14 =	simm.s32 $0x400;
	s15 =	simm.s32 $0x4400;
	s16 =	simm.s32 $0x1400  }
0x7: {  	s17 =	simm.s32 $0x280;
	s18 =	simm.s32 $0x5400;
	s19 =	simm.s32 $0x100  }
0x8: {  	s20 =	simm.s32 $0x2400;
	s21 =	simm.s32 $0x300;
	s22 =	simm.s32 $0x6400  }
0x9: {  	s23 =	simm.s32 $0x180;
	s24 =	simm.s32 $0x3400;
	s25 =	simm.s32 $0x380  }
0xa: {  	s28 =	simm.s32 $0x1;
	s29 =	simm.s32 $0x8610;
	s30 =	simm.s32 $0x0  }
0xb: {  	[smem:$0x7FF] =	sst s1;
	s3 =	sadd.s32 $0x1313400, s0;
	s5 =	sand.u32 $0x1, s2  }
0xc: {  	s4 =	sadd.s32 $0xF42A00, s0;
	s2 =	stileid.u32;
	_ =	strace $0x80000047  }
0xd: {  	s9 =	ssub.s32 $0x2, s5;
	s11 =	sshll.u32 s2, $0x7;
	s12 =	sshll.u32 s5, $0x6  }
0xe: {  	v0 =	vlaneseq.u32;
	s5 =	sadd.s32 $0x600, s0;
	s10 =	sshrl.u32 s9, $0x1;
	s31 =	sor.u32 s12, s11  }
0xf: {  	v0 =	vmul.u32 $0x20, v0;
	s11 =	simm.s32 $0x200;
	s12 =	simm.s32 $0x8400;
	s26 =	ssub.s32 s9, s10  }
0x10: {  	s6 =	sadd.s32 s6, s31;
	s7 =	sadd.s32 s7, s31;
	s8 =	sadd.s32 s8, s31  }
0x11: {  	[tilespmem:$0x1FFF0] =	vst v0;
	s10 =	simm.s32 $0x2;
	s9 =	smax.u32 s26, $0x1;
	s26 =	simm.s32 $0x7400  }
.LBB2_1:
0x12: {  	[tilespmem:s1], [sflag:$0x2] =	stream.linear.gather [hbm4b:s6+s1], $0x200, $0x38;
	[tilespmem:$0x8810] =	vst v63  }
0x13: {  	_ =	swait.ge [sflag:s10], $0x200  }
0x14: {  	[sflag:s10] =	ssyncset.done $0x0  }
0x15: {  	[sflag:s10] =	ssyncadd.s32 $0xFFFFFE00  }
0x16: {  	[tilespmem:s11], [sflag:$0x2] =	stream.linear.gather [hbm4b:s7+s1], $0x200, $0x38;
	[tilespmem:$0x8810] =	vst v63  }
0x17: {  	_ =	swait.ge [sflag:s10], $0x200  }
0x18: {  	[sflag:s10] =	ssyncset.done $0x0  }
0x19: {  	[sflag:s10] =	ssyncadd.s32 $0xFFFFFE00  }
0x1a: {  	[tilespmem:s12], [sflag:$0x2] =	stream.linear.gather [hbm4b:s5+s1], $0x210, $0x38;
	[tilespmem:$0x8810] =	vst v63  }
0x1b: {  	_ =	swait.ge [sflag:s10], $0x210  }
0x1c: {  	[sflag:s10] =	ssyncset.done $0x0  }
0x1d: {  	[sflag:s10] =	ssyncadd.s32 $0xFFFFFDF0  }
0x1e: {  	[tilespmem:s14], [sflag:$0x1] =	stream.indirect.gather [hbm4b:s3+s13], $0x20, s1, s13, $0xb8;
	[tilespmem:$0x8810] =	vst v63  }
0x1f: {  	_ = 	snop  }
0x20: {  	[tilespmem:s15], [sflag:$0x1] =	stream.indirect.gather [hbm4b:s4+s13], $0x20, s11, s13, $0xb8;
	[tilespmem:$0x8810] =	vst v63  }
0x21: {  	_ = 	snop  }
0x22: {  	[tilespmem:s16], [sflag:$0x1] =	stream.indirect.gather [hbm4b:s3+s13], $0x20, s13, s13, $0xb8;
	[tilespmem:$0x8810] =	vst v63  }
0x23: {  	_ = 	snop  }
0x24: {  	[tilespmem:s18], [sflag:$0x1] =	stream.indirect.gather [hbm4b:s4+s13], $0x20, s17, s13, $0xb8;
	[tilespmem:$0x8810] =	vst v63  }
0x25: {  	_ = 	snop  }
0x26: {  	[tilespmem:s20], [sflag:$0x1] =	stream.indirect.gather [hbm4b:s3+s13], $0x20, s19, s13, $0xb8;
	[tilespmem:$0x8810] =	vst v63  }
0x27: {  	_ = 	snop  }
0x28: {  	[tilespmem:s22], [sflag:$0x1] =	stream.indirect.gather [hbm4b:s4+s13], $0x20, s21, s13, $0xb8;
	[tilespmem:$0x8810] =	vst v63  }
0x29: {  	_ = 	snop  }
0x2a: {  	[tilespmem:s24], [sflag:$0x1] =	stream.indirect.gather [hbm4b:s3+s13], $0x20, s23, s13, $0xb8;
	[tilespmem:$0x8810] =	vst v63  }
0x2b: {  	_ = 	snop  }
0x2c: {  	[tilespmem:s26], [sflag:$0x1] =	stream.indirect.gather [hbm4b:s4+s13], $0x20, s25, s13, $0xb8;
	[tilespmem:$0x8810] =	vst v63  }
0x2d: {  	_ =	swait.ge [sflag:s28], $0x1000  }
0x2e: {  	[sflag:s28] =	ssyncset.done $0x0  }
0x2f: {  	[sflag:s28] =	ssyncadd.s32 $0xFFFFF000  }
0x30: {  	_ =	swait.ge [sflag:s28], $0x1000  }
0x31: {  	[sflag:s28] =	ssyncset.done $0x0  }
0x32: {  	[sflag:s28] =	ssyncadd.s32 $0xFFFFF000  }
0x33: {  	_ =	swait.ge [sflag:s28], $0x1000  }
0x34: {  	[sflag:s28] =	ssyncset.done $0x0  }
0x35: {  	[sflag:s28] =	ssyncadd.s32 $0xFFFFF000  }
0x36: {  	_ =	swait.ge [sflag:s28], $0x1000  }
0x37: {  	[sflag:s28] =	ssyncset.done $0x0  }
0x38: {  	[sflag:s28] =	ssyncadd.s32 $0xFFFFF000  }
0x39: {  	_ =	swait.ge [sflag:s28], $0x1000  }
0x3a: {  	[sflag:s28] =	ssyncset.done $0x0  }
0x3b: {  	[sflag:s28] =	ssyncadd.s32 $0xFFFFF000  }
0x3c: {  	_ =	swait.ge [sflag:s28], $0x1000  }
0x3d: {  	[sflag:s28] =	ssyncset.done $0x0  }
0x3e: {  	v1 =	vmov s1;
	[sflag:s28] =	ssyncadd.s32 $0xFFFFF000  }
0x3f: {  	v1 =	vshll.u32 v1, $0x5;
	_ =	swait.ge [sflag:s28], $0x1000  }
0x40: {  	v6 =	vor.u32 v0, v1;
	[sflag:s28] =	ssyncset.done $0x0  }
0x41: {  	v5 =	vor.u32 $0x1E, v6;
	[sflag:s28] =	ssyncadd.s32 $0xFFFFF000  }
0x42: {  	v7 =	vor.u32 $0x1D, v6;
	_ =	swait.ge [sflag:s28], $0x1000  }
0x43: {  	v9 =	vor.u32 $0x1C, v6;
	[sflag:s28] =	ssyncset.done $0x0  }
0x44: {  	v11 =	vor.u32 $0x1B, v6;
	[sflag:s28] =	ssyncadd.s32 $0xFFFFF000  }
0x45: {  	v13 =	vor.u32 $0x1A, v6;
	v1 =	vld [tilespmem:$0x8600]  }
0x46: {  	v14 =	vor.u32 $0x19, v6;
	v2 =	vld.idx.msk [tilespmem:v5+s15+$0x0], $0xffff  }
0x47: {  	v16 =	vor.u32 $0x18, v6;
	v60 =	vld.idx.msk [tilespmem:v7+s15+$0x0], $0xffff  }
0x48: {  	v18 =	vor.u32 $0x17, v6;
	v61 =	vld.idx.msk [tilespmem:v9+s15+$0x0], $0xffff  }
0x49: {  	v20 =	vor.u32 $0x16, v6;
	v8 =	vld.idx.msk [tilespmem:v11+s15+$0x0], $0xffff  }
0x4a: {  	v22 =	vor.u32 $0x15, v6;
	v10 =	vld.idx.msk [tilespmem:v13+s15+$0x0], $0xffff  }
0x4b: {  	v24 =	vor.u32 $0x14, v6;
	v12 =	vld.idx.msk [tilespmem:v14+s15+$0x0], $0xffff  }
0x4c: {  	v26 =	vor.u32 $0x13, v6;
	v15 =	vld.idx.msk [tilespmem:v16+s15+$0x0], $0xffff  }
0x4d: {  	v28 =	vor.u32 $0x12, v6;
	v17 =	vld.idx.msk [tilespmem:v18+s15+$0x0], $0xffff  }
0x4e: {  	v29 =	vor.u32 $0x11, v6;
	v19 =	vld.idx.msk [tilespmem:v20+s15+$0x0], $0xffff  }
0x4f: {  	v30 =	vor.u32 $0x10, v6;
	v21 =	vld.idx.msk [tilespmem:v22+s15+$0x0], $0xffff  }
0x50: {  	v31 =	vor.u32 $0xF, v6;
	v23 =	vld.idx.msk [tilespmem:v24+s15+$0x0], $0xffff  }
0x51: {  	v32 =	vor.u32 $0xE, v6;
	v25 =	vld.idx.msk [tilespmem:v26+s15+$0x0], $0xffff  }
0x52: {  	v33 =	vor.u32 $0xD, v6;
	v27 =	vld.idx.msk [tilespmem:v28+s15+$0x0], $0xffff  }
0x53: {  	v34 =	vor.u32 $0xC, v6;
	v35 =	vld.idx.msk [tilespmem:v29+s15+$0x0], $0xffff  }
0x54: {  	v36 =	vor.u32 $0xB, v6;
	v37 =	vld.idx.msk [tilespmem:v30+s15+$0x0], $0xffff  }
0x55: {  	v38 =	vor.u32 $0xA, v6;
	v39 =	vld.idx.msk [tilespmem:v31+s15+$0x0], $0xffff  }
0x56: {  	v40 =	vor.u32 $0x9, v6;
	v41 =	vld.idx.msk [tilespmem:v32+s15+$0x0], $0xffff  }
0x57: {  	v42 =	vor.u32 $0x8, v6;
	v43 =	vld.idx.msk [tilespmem:v33+s15+$0x0], $0xffff  }
0x58: {  	v44 =	vor.u32 $0x7, v6;
	v45 =	vld.idx.msk [tilespmem:v34+s15+$0x0], $0xffff  }
0x59: {  	v47 =	vor.u32 $0x4, v6;
	v46 =	vld.idx.msk [tilespmem:v36+s15+$0x0], $0xffff  }
0x5a: {  	v49 =	vor.u32 $0x3, v6;
	v48 =	vld.idx.msk [tilespmem:v38+s15+$0x0], $0xffff  }
0x5b: {  	v51 =	vor.u32 $0x2, v6;
	v50 =	vld.idx.msk [tilespmem:v40+s15+$0x0], $0xffff  }
0x5c: {  	v53 =	vor.u32 $0x1, v6;
	v52 =	vld.idx.msk [tilespmem:v42+s15+$0x0], $0xffff  }
0x5d: {  	v54 =	vld.idx.msk [tilespmem:v44+s15+$0x0], $0xffff  }
0x5e: {  	v55 =	vld.idx.msk [tilespmem:v47+s15+$0x0], $0xffff  }
0x5f: {  	v56 =	vld.idx.msk [tilespmem:v49+s15+$0x0], $0xffff  }
0x60: {  	v57 =	vld.idx.msk [tilespmem:v51+s15+$0x0], $0xffff  }
0x61: {  	v58 =	vld.idx.msk [tilespmem:v53+s15+$0x0], $0xffff  }
0x62: {  	v59 =	vld.idx.msk [tilespmem:v6+s15+$0x0], $0xffff  }
0x63: {  	v53 =	vld.idx.msk [tilespmem:v53+s14+$0x0], $0xffff  }
0x64: {  	v63 =	vld [tilespmem:$0x8410]  }
0x65: {  	v51 =	vld.idx.msk [tilespmem:v51+s14+$0x0], $0xffff  }
0x66: {  	v49 =	vld.idx.msk [tilespmem:v49+s14+$0x0], $0xffff  }
0x67: {  	v47 =	vld.idx.msk [tilespmem:v47+s14+$0x0], $0xffff  }
0x68: {  	[tilespmem:$0x1FFB0] =	vst v60;
	v60 =	vld.idx.msk [tilespmem:v6+s14+$0x0], $0xffff  }
0x69: {  	[tilespmem:$0x1FFA0] =	vst v61;
	v61 =	vld [tilespmem:$0x8400]  }
0x6a: {  	v3 =	vld [tilespmem:$0x8420]  }
0x6b: {  	v62 =	vor.u32 $0x6, v6;
	v4 =	vld [tilespmem:$0x8430]  }
0x6c: {  	v44 =	vld.idx.msk [tilespmem:v44+s14+$0x0], $0xffff  }
0x6d: {  	v42 =	vld.idx.msk [tilespmem:v42+s14+$0x0], $0xffff;
	[tilespmem:$0x1FFC0] =	vst v2;
	v2 =	vor.u32 $0x5, v6  }
0x6e: {  	v40 =	vld.idx.msk [tilespmem:v40+s14+$0x0], $0xffff;
	v60 =	vmul.f32 v61, v60  }
0x6f: {  	v53 =	vmul.f32 v63, v53;
	v63 =	vld [tilespmem:$0x8440]  }
0x70: {  	v4 =	vmul.f32 v4, v49;
	v49 =	vld.idx.msk [tilespmem:v62+s14+$0x0], $0xffff;
	v59 =	vmul.f32 v60, v59  }
0x71: {  	v53 =	vmul.f32 v53, v58;
	v58 =	vld [tilespmem:$0x8450]  }
0x72: {  	v3 =	vmul.f32 v3, v51;
	v60 =	vld.idx.msk [tilespmem:v2+s15+$0x0], $0xffff;
	v51 =	vadd.f32 v59, v1  }
0x73: {  	v2 =	vld.idx.msk [tilespmem:v2+s14+$0x0], $0xffff  }
0x74: {  	v3 =	vmul.f32 v3, v57;
	v61 =	vld.idx.msk [tilespmem:v62+s15+$0x0], $0xffff;
	v51 =	vadd.f32 v53, v51  }
0x75: {  	v62 =	vld [tilespmem:$0x8460]  }
0x76: {  	v38 =	vld.idx.msk [tilespmem:v38+s14+$0x0], $0xffff;
	v4 =	vmul.f32 v4, v56;
	v47 =	vmul.f32 v63, v47;
	v3 =	vadd.f32 v3, v51  }
0x77: {  	v57 =	vld [tilespmem:$0x8470]  }
0x78: {  	v36 =	vld.idx.msk [tilespmem:v36+s14+$0x0], $0xffff;
	v2 =	vmul.f32 v58, v2;
	v3 =	vadd.f32 v4, v3;
	v4 =	vmul.f32 v47, v55  }
0x79: {  	v59 =	vld [tilespmem:$0x8480]  }
0x7a: {  	v34 =	vld.idx.msk [tilespmem:v34+s14+$0x0], $0xffff;
	v2 =	vmul.f32 v2, v60;
	v3 =	vadd.f32 v4, v3;
	v4 =	vmul.f32 v62, v49  }
0x7b: {  	v62 =	vld [tilespmem:$0x8490]  }
0x7c: {  	v33 =	vld.idx.msk [tilespmem:v33+s14+$0x0], $0xffff;
	v2 =	vadd.f32 v2, v3;
	v3 =	vmul.f32 v4, v61;
	v4 =	vmul.f32 v57, v44  }
0x7d: {  	v63 =	vld [tilespmem:$0x84A0]  }
0x7e: {  	v32 =	vld.idx.msk [tilespmem:v32+s14+$0x0], $0xffff;
	v2 =	vadd.f32 v3, v2;
	v3 =	vmul.f32 v4, v54;
	v4 =	vmul.f32 v59, v42  }
0x7f: {  	v47 =	vld [tilespmem:$0x84B0]  }
0x80: {  	v31 =	vld.idx.msk [tilespmem:v31+s14+$0x0], $0xffff;
	v2 =	vadd.f32 v3, v2;
	v3 =	vmul.f32 v4, v52;
	v4 =	vmul.f32 v62, v40  }
0x81: {  	v51 =	vld [tilespmem:$0x84C0]  }
0x82: {  	v30 =	vld.idx.msk [tilespmem:v30+s14+$0x0], $0xffff;
	v2 =	vadd.f32 v3, v2;
	v3 =	vmul.f32 v4, v50;
	v4 =	vmul.f32 v63, v38  }
0x83: {  	v52 =	vld [tilespmem:$0x84D0]  }
0x84: {  	v29 =	vld.idx.msk [tilespmem:v29+s14+$0x0], $0xffff;
	v2 =	vadd.f32 v3, v2;
	v3 =	vmul.f32 v4, v48;
	v4 =	vmul.f32 v47, v36  }
0x85: {  	v53 =	vld [tilespmem:$0x84E0]  }
0x86: {  	v28 =	vld.idx.msk [tilespmem:v28+s14+$0x0], $0xffff;
	v2 =	vadd.f32 v3, v2;
	v3 =	vmul.f32 v4, v46;
	v4 =	vmul.f32 v51, v34  }
0x87: {  	v54 =	vld [tilespmem:$0x84F0]  }
0x88: {  	v26 =	vld.idx.msk [tilespmem:v26+s14+$0x0], $0xffff;
	v2 =	vadd.f32 v3, v2;
	v3 =	vmul.f32 v4, v45;
	v4 =	vmul.f32 v52, v33  }
0x89: {  	v55 =	vld [tilespmem:$0x8500]  }
0x8a: {  	v24 =	vld.idx.msk [tilespmem:v24+s14+$0x0], $0xffff;
	v2 =	vadd.f32 v3, v2;
	v3 =	vmul.f32 v4, v43;
	v4 =	vmul.f32 v53, v32  }
0x8b: {  	v56 =	vld [tilespmem:$0x8510]  }
0x8c: {  	v22 =	vld.idx.msk [tilespmem:v22+s14+$0x0], $0xffff;
	v2 =	vadd.f32 v3, v2;
	v3 =	vmul.f32 v4, v41;
	v4 =	vmul.f32 v54, v31  }
0x8d: {  	v31 =	vld [tilespmem:$0x8520]  }
0x8e: {  	v20 =	vld.idx.msk [tilespmem:v20+s14+$0x0], $0xffff;
	v2 =	vadd.f32 v3, v2;
	v3 =	vmul.f32 v4, v39;
	v4 =	vmul.f32 v55, v30  }
0x8f: {  	v30 =	vld [tilespmem:$0x8530]  }
0x90: {  	v18 =	vld.idx.msk [tilespmem:v18+s14+$0x0], $0xffff;
	v2 =	vadd.f32 v3, v2;
	v3 =	vmul.f32 v4, v37;
	v4 =	vmul.f32 v56, v29  }
0x91: {  	v29 =	vld [tilespmem:$0x8540]  }
0x92: {  	v16 =	vld.idx.msk [tilespmem:v16+s14+$0x0], $0xffff;
	v2 =	vadd.f32 v3, v2;
	v3 =	vmul.f32 v4, v35;
	v4 =	vmul.f32 v31, v28  }
0x93: {  	v28 =	vld [tilespmem:$0x8550]  }
0x94: {  	v14 =	vld.idx.msk [tilespmem:v14+s14+$0x0], $0xffff;
	v2 =	vadd.f32 v3, v2;
	v3 =	vmul.f32 v4, v27;
	v4 =	vmul.f32 v30, v26  }
0x95: {  	v26 =	vld [tilespmem:$0x8560]  }
0x96: {  	v13 =	vld.idx.msk [tilespmem:v13+s14+$0x0], $0xffff;
	v2 =	vadd.f32 v3, v2;
	v3 =	vmul.f32 v4, v25;
	v4 =	vmul.f32 v29, v24  }
0x97: {  	v24 =	vld [tilespmem:$0x8570]  }
0x98: {  	v11 =	vld.idx.msk [tilespmem:v11+s14+$0x0], $0xffff;
	v2 =	vadd.f32 v3, v2;
	v3 =	vmul.f32 v4, v23;
	v4 =	vmul.f32 v28, v22  }
0x99: {  	v22 =	vld [tilespmem:$0x8580]  }
0x9a: {  	v9 =	vld.idx.msk [tilespmem:v9+s14+$0x0], $0xffff;
	v2 =	vadd.f32 v3, v2;
	v3 =	vmul.f32 v4, v21;
	v4 =	vmul.f32 v26, v20  }
0x9b: {  	v20 =	vld [tilespmem:$0x8590]  }
0x9c: {  	v7 =	vld.idx.msk [tilespmem:v7+s14+$0x0], $0xffff;
	v2 =	vadd.f32 v3, v2;
	v3 =	vmul.f32 v4, v19;
	v4 =	vmul.f32 v24, v18  }
0x9d: {  	v18 =	vld [tilespmem:$0x85A0]  }
0x9e: {  	v5 =	vld.idx.msk [tilespmem:v5+s14+$0x0], $0xffff;
	v2 =	vadd.f32 v3, v2;
	v3 =	vmul.f32 v4, v17;
	v4 =	vmul.f32 v22, v16  }
0x9f: {  	v16 =	vld [tilespmem:$0x85B0]  }
0xa0: {  	v58 =	vld [tilespmem:$0x1FFB0];
	v2 =	vadd.f32 v3, v2;
	v3 =	vmul.f32 v4, v15;
	v4 =	vmul.f32 v20, v14  }
0xa1: {  	v6 =	vor.u32 $0x1F, v6;
	v14 =	vld [tilespmem:$0x85C0]  }
0xa2: {  	v57 =	vld [tilespmem:$0x1FFA0];
	v2 =	vadd.f32 v3, v2;
	v3 =	vmul.f32 v4, v12;
	v4 =	vmul.f32 v18, v13  }
0xa3: {  	v12 =	vld [tilespmem:$0x85D0]  }
0xa4: {  	v59 =	vld [tilespmem:$0x1FFC0];
	v2 =	vadd.f32 v3, v2;
	v3 =	vmul.f32 v4, v10;
	v4 =	vmul.f32 v16, v11  }
0xa5: {  	v10 =	vld [tilespmem:$0x85E0]  }
0xa6: {  	v2 =	vadd.f32 v3, v2;
	v3 =	vmul.f32 v4, v8;
	v4 =	vmul.f32 v14, v9;
	v8 =	vld.idx.msk [tilespmem:v6+s14+$0x0], $0xffff  }
0xa7: {  	v9 =	vld [tilespmem:$0x85F0]  }
0xa8: {  	v2 =	vadd.f32 v3, v2;
	v3 =	vmul.f32 v4, v57;
	v4 =	vmul.f32 v12, v7  }
0xa9: {  	v6 =	vld.idx.msk [tilespmem:v6+s15+$0x0], $0xffff  }
0xaa: {  	v2 =	vadd.f32 v3, v2;
	v3 =	vmul.f32 v4, v58;
	v4 =	vmul.f32 v10, v5;
	_ =	sdelay $0x1  }
0xab: {  	v2 =	vadd.f32 v3, v2;
	v3 =	vmul.f32 v4, v59;
	v4 =	vmul.f32 v9, v8;
	_ =	sdelay $0x1  }
0xac: {  	v2 =	vadd.f32 v3, v2;
	v3 =	vmul.f32 v4, v6;
	_ =	sdelay $0x1  }
0xad: {  	v2 =	vadd.f32 v3, v2;
	_ =	sdelay $0x1  }
0xae: {  	v2 =	vsub.f32 $0.0e+00, v2;
	_ =	sdelay $0x1  }
0xaf: {  	v2 =	vmul.f32 $1.442695020e+00, v2;
	_ =	sdelay $0x1  }
0xb0: {  	(erf) = vpow2.f32 v2;
	_ =	sdelay $0x8  }
0xb1: {  	v2 =	vpop (erf)  }
0xb2: {  	v2 =	vadd.f32 $1.000000000e+00, v2;
	_ =	sdelay $0x1  }
0xb3: {  	(erf) = vrcp.f32 v2;
	_ =	sdelay $0x1  }
0xb4: {  	s0 =	simm.s32 $0x10  }
0xb5: {  	v60 =	vmov s0  }
0xb6: {  	v2 =	vshll.u32 v60, $0x5  }
0xb7: {  	v7 =	vor.u32 v0, v2  }
0xb8: {  	v4 =	vor.u32 $0x1E, v7  }
0xb9: {  	v6 =	vor.u32 $0x1D, v7  }
0xba: {  	v9 =	vor.u32 $0x1C, v7  }
0xbb: {  	v11 =	vor.u32 $0x1B, v7;
	v61 =	vpop (erf)  }
0xbc: {  	v13 =	vor.u32 $0x1A, v7;
	[tilespmem:s29+$0x0] =	vst v61  }
0xbd: {  	v14 =	vor.u32 $0x19, v7;
	v62 =	vld.idx.msk [tilespmem:v4+s15+$0x0], $0xffff  }
0xbe: {  	v16 =	vor.u32 $0x18, v7;
	v63 =	vld.idx.msk [tilespmem:v6+s15+$0x0], $0xffff  }
0xbf: {  	v18 =	vor.u32 $0x17, v7;
	v5 =	vld.idx.msk [tilespmem:v9+s15+$0x0], $0xffff  }
0xc0: {  	v20 =	vor.u32 $0x16, v7;
	v8 =	vld.idx.msk [tilespmem:v11+s15+$0x0], $0xffff  }
0xc1: {  	v22 =	vor.u32 $0x15, v7;
	v10 =	vld.idx.msk [tilespmem:v13+s15+$0x0], $0xffff  }
0xc2: {  	v24 =	vor.u32 $0x14, v7;
	v12 =	vld.idx.msk [tilespmem:v14+s15+$0x0], $0xffff  }
0xc3: {  	v26 =	vor.u32 $0x13, v7;
	v15 =	vld.idx.msk [tilespmem:v16+s15+$0x0], $0xffff  }
0xc4: {  	v28 =	vor.u32 $0x12, v7;
	v17 =	vld.idx.msk [tilespmem:v18+s15+$0x0], $0xffff  }
0xc5: {  	v30 =	vor.u32 $0x11, v7;
	v19 =	vld.idx.msk [tilespmem:v20+s15+$0x0], $0xffff  }
0xc6: {  	v32 =	vor.u32 $0x10, v7;
	v21 =	vld.idx.msk [tilespmem:v22+s15+$0x0], $0xffff  }
0xc7: {  	v34 =	vor.u32 $0xF, v7;
	v23 =	vld.idx.msk [tilespmem:v24+s15+$0x0], $0xffff  }
0xc8: {  	v36 =	vor.u32 $0xE, v7;
	v25 =	vld.idx.msk [tilespmem:v26+s15+$0x0], $0xffff  }
0xc9: {  	v38 =	vor.u32 $0xD, v7;
	v27 =	vld.idx.msk [tilespmem:v28+s15+$0x0], $0xffff  }
0xca: {  	v40 =	vor.u32 $0xC, v7;
	v29 =	vld.idx.msk [tilespmem:v30+s15+$0x0], $0xffff  }
0xcb: {  	v43 =	vor.u32 $0xB, v7;
	v31 =	vld.idx.msk [tilespmem:v32+s15+$0x0], $0xffff  }
0xcc: {  	v45 =	vor.u32 $0xA, v7;
	v33 =	vld.idx.msk [tilespmem:v34+s15+$0x0], $0xffff  }
0xcd: {  	v47 =	vor.u32 $0x9, v7;
	v35 =	vld.idx.msk [tilespmem:v36+s15+$0x0], $0xffff  }
0xce: {  	v49 =	vor.u32 $0x8, v7;
	v37 =	vld.idx.msk [tilespmem:v38+s15+$0x0], $0xffff  }
0xcf: {  	v50 =	vor.u32 $0x7, v7;
	v39 =	vld.idx.msk [tilespmem:v40+s15+$0x0], $0xffff  }
0xd0: {  	v52 =	vor.u32 $0x6, v7;
	v41 =	vld.idx.msk [tilespmem:v43+s15+$0x0], $0xffff  }
0xd1: {  	v42 =	vld.idx.msk [tilespmem:v45+s15+$0x0], $0xffff  }
0xd2: {  	v44 =	vld.idx.msk [tilespmem:v47+s15+$0x0], $0xffff  }
0xd3: {  	[tilespmem:$0x1FF90] =	vst v1;
	v46 =	vld.idx.msk [tilespmem:v49+s15+$0x0], $0xffff  }
0xd4: {  	v53 =	vor.u32 $0x5, v7;
	v54 =	vor.u32 $0x4, v7;
	v48 =	vld.idx.msk [tilespmem:v50+s15+$0x0], $0xffff;
	[tilespmem:$0x1FFD0] =	vst v62  }
0xd5: {  	s31 =	simm.s32 $0x8610;
	s0 =	simm.s32 $0x20;
	v55 =	vor.u32 $0x3, v7;
	v56 =	vor.u32 $0x2, v7;
	v57 =	vor.u32 $0x1, v7;
	v51 =	vld.idx.msk [tilespmem:v52+s15+$0x0], $0xffff;
	[tilespmem:$0x1FFE0] =	vst v63  }
.LBB2_2:
0xd6: {  	_ =	sdelay $0x2  }
0xd7: {  	v58 =	vld.idx.msk [tilespmem:v53+s15+$0x0], $0xffff  }
0xd8: {  	v59 =	vld.idx.msk [tilespmem:v54+s15+$0x0], $0xffff  }
0xd9: {  	v60 =	vld.idx.msk [tilespmem:v55+s15+$0x0], $0xffff  }
0xda: {  	v61 =	vld.idx.msk [tilespmem:v56+s15+$0x0], $0xffff  }
0xdb: {  	v62 =	vld.idx.msk [tilespmem:v57+s15+$0x0], $0xffff  }
0xdc: {  	v63 =	vld.idx.msk [tilespmem:v7+s15+$0x0], $0xffff  }
0xdd: {  	v0 =	vld.idx.msk [tilespmem:v7+s14+$0x0], $0xffff  }
0xde: {  	v1 =	vld [tilespmem:$0x8400]  }
0xdf: {  	v57 =	vld.idx.msk [tilespmem:v57+s14+$0x0], $0xffff  }
0xe0: {  	v2 =	vld [tilespmem:$0x8410]  }
0xe1: {  	v56 =	vld.idx.msk [tilespmem:v56+s14+$0x0], $0xffff  }
0xe2: {  	v3 =	vld [tilespmem:$0x8420]  }
0xe3: {  	v54 =	vld.idx.msk [tilespmem:v54+s14+$0x0], $0xffff;
	v0 =	vmul.f32 v1, v0  }
0xe4: {  	v53 =	vld.idx.msk [tilespmem:v53+s14+$0x0], $0xffff  }
0xe5: {  	v0 =	vmul.f32 v0, v63;
	v63 =	vld [tilespmem:$0x1FF90]  }
0xe6: {  	v1 =	vld.idx.msk [tilespmem:v55+s14+$0x0], $0xffff  }
0xe7: {  	v55 =	vld [tilespmem:$0x8430]  }
0xe8: {  	v50 =	vld.idx.msk [tilespmem:v50+s14+$0x0], $0xffff;
	v2 =	vmul.f32 v2, v57  }
0xe9: {  	v57 =	vld [tilespmem:$0x8440]  }
0xea: {  	v49 =	vld.idx.msk [tilespmem:v49+s14+$0x0], $0xffff;
	v3 =	vmul.f32 v3, v56;
	v2 =	vmul.f32 v2, v62;
	v0 =	vadd.f32 v0, v63  }
0xeb: {  	v56 =	vld [tilespmem:$0x8450]  }
0xec: {  	v1 =	vmul.f32 v55, v1;
	v63 =	vmul.f32 v3, v61;
	v3 =	vld.idx.msk [tilespmem:v52+s14+$0x0], $0xffff;
	v0 =	vadd.f32 v2, v0  }
0xed: {  	v52 =	vld [tilespmem:$0x8460]  }
0xee: {  	v45 =	vld.idx.msk [tilespmem:v45+s14+$0x0], $0xffff;
	v1 =	vmul.f32 v1, v60;
	v61 =	vmul.f32 v57, v54;
	v0 =	vadd.f32 v63, v0  }
0xef: {  	v62 =	vld [tilespmem:$0x8470]  }
0xf0: {  	v43 =	vld.idx.msk [tilespmem:v43+s14+$0x0], $0xffff;
	v56 =	vmul.f32 v56, v53;
	v63 =	vmul.f32 v61, v59;
	v0 =	vadd.f32 v1, v0  }
0xf1: {  	v57 =	vld [tilespmem:$0x8480]  }
0xf2: {  	v58 =	vmul.f32 v56, v58;
	v60 =	vld [tilespmem:$0x8490];
	v59 =	vmul.f32 v52, v3;
	v0 =	vadd.f32 v63, v0  }
0xf3: {  	v3 =	vld.idx.msk [tilespmem:v47+s14+$0x0], $0xffff  }
0xf4: {  	v38 =	vld.idx.msk [tilespmem:v38+s14+$0x0], $0xffff;
	v62 =	vmul.f32 v62, v50;
	v61 =	vmul.f32 v59, v51;
	v0 =	vadd.f32 v58, v0  }
0xf5: {  	v63 =	vld [tilespmem:$0x84A0]  }
0xf6: {  	v36 =	vld.idx.msk [tilespmem:v36+s14+$0x0], $0xffff;
	v52 =	vmul.f32 v62, v48;
	v54 =	vmul.f32 v57, v49;
	v0 =	vadd.f32 v61, v0  }
0xf7: {  	v55 =	vld [tilespmem:$0x84B0]  }
0xf8: {  	v56 =	vmul.f32 v54, v46;
	v57 =	vmul.f32 v60, v3;
	v3 =	vld.idx.msk [tilespmem:v40+s14+$0x0], $0xffff;
	v0 =	vadd.f32 v52, v0  }
0xf9: {  	v58 =	vld [tilespmem:$0x84C0]  }
0xfa: {  	v32 =	vld.idx.msk [tilespmem:v32+s14+$0x0], $0xffff;
	v59 =	vmul.f32 v57, v44;
	v60 =	vmul.f32 v63, v45;
	v0 =	vadd.f32 v56, v0  }
0xfb: {  	v61 =	vld [tilespmem:$0x84D0]  }
0xfc: {  	v30 =	vld.idx.msk [tilespmem:v30+s14+$0x0], $0xffff;
	v63 =	vmul.f32 v55, v43;
	v62 =	vmul.f32 v60, v42;
	v0 =	vadd.f32 v59, v0  }
0xfd: {  	v45 =	vld [tilespmem:$0x84E0]  }
0xfe: {  	v48 =	vld [tilespmem:$0x84F0];
	v46 =	vmul.f32 v63, v41;
	v47 =	vmul.f32 v58, v3;
	v0 =	vadd.f32 v62, v0  }
0xff: {  	v3 =	vld.idx.msk [tilespmem:v34+s14+$0x0], $0xffff  }
0x100: {  	v26 =	vld.idx.msk [tilespmem:v26+s14+$0x0], $0xffff;
	v49 =	vmul.f32 v47, v39;
	v50 =	vmul.f32 v61, v38;
	v0 =	vadd.f32 v46, v0  }
0x101: {  	v51 =	vld [tilespmem:$0x8500]  }
0x102: {  	v24 =	vld.idx.msk [tilespmem:v24+s14+$0x0], $0xffff;
	v53 =	vmul.f32 v45, v36;
	v52 =	vmul.f32 v50, v37;
	v0 =	vadd.f32 v49, v0  }
0x103: {  	v54 =	vld [tilespmem:$0x8510]  }
0x104: {  	v55 =	vmul.f32 v53, v35;
	v56 =	vmul.f32 v48, v3;
	v3 =	vld.idx.msk [tilespmem:v28+s14+$0x0], $0xffff;
	v0 =	vadd.f32 v52, v0  }
0x105: {  	v28 =	vld [tilespmem:$0x8520]  }
0x106: {  	v20 =	vld.idx.msk [tilespmem:v20+s14+$0x0], $0xffff;
	v58 =	vmul.f32 v51, v32;
	v57 =	vmul.f32 v56, v33;
	v0 =	vadd.f32 v55, v0  }
0x107: {  	v59 =	vld [tilespmem:$0x8530]  }
0x108: {  	v18 =	vld.idx.msk [tilespmem:v18+s14+$0x0], $0xffff;
	v60 =	vmul.f32 v58, v31;
	v61 =	vmul.f32 v54, v30;
	v0 =	vadd.f32 v57, v0  }
0x109: {  	v30 =	vld [tilespmem:$0x8540]  }
0x10a: {  	v62 =	vmul.f32 v61, v29;
	v63 =	vmul.f32 v28, v3;
	v3 =	vld.idx.msk [tilespmem:v22+s14+$0x0], $0xffff;
	v0 =	vadd.f32 v60, v0  }
0x10b: {  	v22 =	vld [tilespmem:$0x8550]  }
0x10c: {  	v14 =	vld.idx.msk [tilespmem:v14+s14+$0x0], $0xffff;
	v34 =	vmul.f32 v59, v26;
	v33 =	vmul.f32 v63, v27;
	v0 =	vadd.f32 v62, v0  }
0x10d: {  	v26 =	vld [tilespmem:$0x8560]  }
0x10e: {  	v13 =	vld.idx.msk [tilespmem:v13+s14+$0x0], $0xffff;
	v36 =	vmul.f32 v30, v24;
	v35 =	vmul.f32 v34, v25;
	v0 =	vadd.f32 v33, v0  }
0x10f: {  	v24 =	vld [tilespmem:$0x8570]  }
0x110: {  	v37 =	vmul.f32 v36, v23;
	v38 =	vmul.f32 v22, v3;
	v3 =	vld.idx.msk [tilespmem:v16+s14+$0x0], $0xffff;
	v0 =	vadd.f32 v35, v0  }
0x111: {  	v16 =	vld [tilespmem:$0x8580]  }
0x112: {  	v9 =	vld.idx.msk [tilespmem:v9+s14+$0x0], $0xffff;
	v40 =	vmul.f32 v26, v20;
	v39 =	vmul.f32 v38, v21;
	v0 =	vadd.f32 v37, v0  }
0x113: {  	v20 =	vld [tilespmem:$0x8590]  }
0x114: {  	v6 =	vld.idx.msk [tilespmem:v6+s14+$0x0], $0xffff;
	v42 =	vmul.f32 v24, v18;
	v41 =	vmul.f32 v40, v19;
	v0 =	vadd.f32 v39, v0  }
0x115: {  	v18 =	vld [tilespmem:$0x85A0]  }
0x116: {  	v43 =	vmul.f32 v42, v17;
	v44 =	vmul.f32 v16, v3;
	v3 =	vld.idx.msk [tilespmem:v11+s14+$0x0], $0xffff;
	v0 =	vadd.f32 v41, v0  }
0x117: {  	v11 =	vld [tilespmem:$0x85B0]  }
0x118: {  	v55 =	vld [tilespmem:$0x1FFE0];
	v46 =	vmul.f32 v20, v14;
	v45 =	vmul.f32 v44, v15;
	v0 =	vadd.f32 v43, v0  }
0x119: {  	v7 =	vor.u32 $0x1F, v7;
	v14 =	vld [tilespmem:$0x85C0]  }
0x11a: {  	v57 =	vld [tilespmem:$0x1FFD0];
	v48 =	vmul.f32 v18, v13;
	v47 =	vmul.f32 v46, v12;
	v0 =	vadd.f32 v45, v0  }
0x11b: {  	v12 =	vld [tilespmem:$0x85D0]  }
0x11c: {  	v49 =	vmul.f32 v48, v10;
	v50 =	vmul.f32 v11, v3;
	v3 =	vld.idx.msk [tilespmem:v4+s14+$0x0], $0xffff;
	v0 =	vadd.f32 v47, v0  }
0x11d: {  	v4 =	vld [tilespmem:$0x85E0]  }
0x11e: {  	v52 =	vmul.f32 v14, v9;
	v9 =	vld [tilespmem:$0x85F0];
	v51 =	vmul.f32 v50, v8;
	v0 =	vadd.f32 v49, v0  }
0x11f: {  	v8 =	vld.idx.msk [tilespmem:v7+s14+$0x0], $0xffff  }
0x120: {  	v53 =	vmul.f32 v52, v5;
	v54 =	vmul.f32 v12, v6;
	v0 =	vadd.f32 v51, v0  }
0x121: {  	v5 =	vld.idx.msk [tilespmem:v7+s15+$0x0], $0xffff  }
0x122: {  	v1 =	vmul.f32 v54, v55;
	v56 =	vmul.f32 v4, v3;
	v0 =	vadd.f32 v53, v0;
	_ =	sdelay $0x1  }
0x123: {  	v58 =	vmul.f32 v9, v8;
	v0 =	vadd.f32 v1, v0;
	v1 =	vmul.f32 v56, v57;
	_ =	sdelay $0x1  }
0x124: {  	v59 =	vmul.f32 v58, v5;
	v0 =	vadd.f32 v1, v0;
	_ =	sdelay $0x1  }
0x125: {  	v0 =	vadd.f32 v59, v0;
	_ =	sdelay $0x1  }
0x126: {  	v0 =	vsub.f32 $0.0e+00, v0;
	_ =	sdelay $0x1  }
0x127: {  	v0 =	vmul.f32 $1.442695020e+00, v0;
	_ =	sdelay $0x1  }
0x128: {  	(erf) = vpow2.f32 v0;
	_ =	sdelay $0x8  }
0x129: {  	v0 =	vpop (erf)  }
0x12a: {  	v0 =	vadd.f32 $1.000000000e+00, v0;
	_ =	sdelay $0x1  }
0x12b: {  	v61 =	vld [tilespmem:$0x1FFF0];
	(erf) = vrcp.f32 v0;
	_ =	sdelay $0x2  }
0x12c: {  	v60 =	vmov s0  }
0x12d: {  	v0 =	vshll.u32 v60, $0x5  }
0x12e: {  	v7 =	vor.u32 v61, v0  }
0x12f: {  	v4 =	vor.u32 $0x1E, v7  }
0x130: {  	v6 =	vor.u32 $0x1D, v7  }
0x131: {  	v9 =	vor.u32 $0x1C, v7  }
0x132: {  	s31 =	sadd.s32 $0x10, s31;
	v11 =	vor.u32 $0x1B, v7;
	v62 =	vpop (erf)  }
0x133: {  	v13 =	vor.u32 $0x1A, v7;
	[tilespmem:s31+$0x0] =	vst v62  }
0x134: {  	v14 =	vor.u32 $0x19, v7;
	v0 =	vld.idx.msk [tilespmem:v4+s15+$0x0], $0xffff  }
0x135: {  	v16 =	vor.u32 $0x18, v7;
	v63 =	vld.idx.msk [tilespmem:v6+s15+$0x0], $0xffff  }
0x136: {  	v18 =	vor.u32 $0x17, v7;
	v5 =	vld.idx.msk [tilespmem:v9+s15+$0x0], $0xffff  }
0x137: {  	v20 =	vor.u32 $0x16, v7;
	v8 =	vld.idx.msk [tilespmem:v11+s15+$0x0], $0xffff  }
0x138: {  	v22 =	vor.u32 $0x15, v7;
	v10 =	vld.idx.msk [tilespmem:v13+s15+$0x0], $0xffff  }
0x139: {  	v24 =	vor.u32 $0x14, v7;
	v12 =	vld.idx.msk [tilespmem:v14+s15+$0x0], $0xffff  }
0x13a: {  	v26 =	vor.u32 $0x13, v7;
	v15 =	vld.idx.msk [tilespmem:v16+s15+$0x0], $0xffff  }
0x13b: {  	v28 =	vor.u32 $0x12, v7;
	v17 =	vld.idx.msk [tilespmem:v18+s15+$0x0], $0xffff  }
0x13c: {  	v30 =	vor.u32 $0x11, v7;
	v19 =	vld.idx.msk [tilespmem:v20+s15+$0x0], $0xffff  }
0x13d: {  	v32 =	vor.u32 $0x10, v7;
	v21 =	vld.idx.msk [tilespmem:v22+s15+$0x0], $0xffff  }
0x13e: {  	v34 =	vor.u32 $0xF, v7;
	v23 =	vld.idx.msk [tilespmem:v24+s15+$0x0], $0xffff  }
0x13f: {  	v36 =	vor.u32 $0xE, v7;
	v25 =	vld.idx.msk [tilespmem:v26+s15+$0x0], $0xffff  }
0x140: {  	v38 =	vor.u32 $0xD, v7;
	v27 =	vld.idx.msk [tilespmem:v28+s15+$0x0], $0xffff  }
0x141: {  	v40 =	vor.u32 $0xC, v7;
	v29 =	vld.idx.msk [tilespmem:v30+s15+$0x0], $0xffff  }
0x142: {  	v43 =	vor.u32 $0xB, v7;
	v31 =	vld.idx.msk [tilespmem:v32+s15+$0x0], $0xffff  }
0x143: {  	v45 =	vor.u32 $0xA, v7;
	v33 =	vld.idx.msk [tilespmem:v34+s15+$0x0], $0xffff  }
0x144: {  	v47 =	vor.u32 $0x9, v7;
	v35 =	vld.idx.msk [tilespmem:v36+s15+$0x0], $0xffff  }
0x145: {  	v49 =	vor.u32 $0x8, v7;
	v37 =	vld.idx.msk [tilespmem:v38+s15+$0x0], $0xffff  }
0x146: {  	v50 =	vor.u32 $0x7, v7;
	v39 =	vld.idx.msk [tilespmem:v40+s15+$0x0], $0xffff  }
0x147: {  	p0 =	sne.s32 s0, $0x1F0;
	v52 =	vor.u32 $0x6, v7;
	v41 =	vld.idx.msk [tilespmem:v43+s15+$0x0], $0xffff  }
.Ltmp0:
0x148: {  	v42 =	vld.idx.msk [tilespmem:v45+s15+$0x0], $0xffff;
	(pc) =	sbr.rel @p0 .LBB2_2-.Ltmp0, $4  }
0x149: {  	v44 =	vld.idx.msk [tilespmem:v47+s15+$0x0], $0xffff  }
0x14a: {  	v46 =	vld.idx.msk [tilespmem:v49+s15+$0x0], $0xffff  }
0x14b: {  	v53 =	vor.u32 $0x5, v7;
	v54 =	vor.u32 $0x4, v7;
	v48 =	vld.idx.msk [tilespmem:v50+s15+$0x0], $0xffff;
	[tilespmem:$0x1FFD0] =	vst v0  }
0x14c: {  	s0 =	sadd.s32 $0x10, s0;
	v55 =	vor.u32 $0x3, v7;
	v56 =	vor.u32 $0x2, v7;
	v57 =	vor.u32 $0x1, v7;
	v51 =	vld.idx.msk [tilespmem:v52+s15+$0x0], $0xffff;
	[tilespmem:$0x1FFE0] =	vst v63  }
0x14d: {  	_ =	sdelay $0x3  }
0x14e: {  	v0 =	vld.idx.msk [tilespmem:v55+s15+$0x0], $0xffff  }
0x14f: {  	v1 =	vld.idx.msk [tilespmem:v56+s15+$0x0], $0xffff  }
0x150: {  	v2 =	vld.idx.msk [tilespmem:v57+s15+$0x0], $0xffff  }
0x151: {  	v3 =	vld.idx.msk [tilespmem:v7+s15+$0x0], $0xffff  }
0x152: {  	v58 =	vld.idx.msk [tilespmem:v7+s14+$0x0], $0xffff  }
0x153: {  	v59 =	vld [tilespmem:$0x8400]  }
0x154: {  	v57 =	vld.idx.msk [tilespmem:v57+s14+$0x0], $0xffff  }
0x155: {  	v60 =	vld [tilespmem:$0x8410]  }
0x156: {  	v56 =	vld.idx.msk [tilespmem:v56+s14+$0x0], $0xffff  }
0x157: {  	v55 =	vld.idx.msk [tilespmem:v55+s14+$0x0], $0xffff  }
0x158: {  	v61 =	vld.idx.msk [tilespmem:v54+s15+$0x0], $0xffff  }
0x159: {  	v62 =	vld [tilespmem:$0x8420]  }
0x15a: {  	v63 =	vld [tilespmem:$0x1FF90]  }
0x15b: {  	v54 =	vld.idx.msk [tilespmem:v54+s14+$0x0], $0xffff;
	v58 =	vmul.f32 v59, v58  }
0x15c: {  	v59 =	vld [tilespmem:$0x8430]  }
0x15d: {  	v57 =	vmul.f32 v60, v57;
	v60 =	vld [tilespmem:$0x8440];
	v3 =	vmul.f32 v58, v3  }
0x15e: {  	v56 =	vmul.f32 v62, v56;
	v62 =	vld [tilespmem:$0x8450]  }
0x15f: {  	v58 =	vld.idx.msk [tilespmem:v53+s15+$0x0], $0xffff;
	v2 =	vmul.f32 v57, v2;
	v3 =	vadd.f32 v3, v63  }
0x160: {  	v53 =	vld.idx.msk [tilespmem:v53+s14+$0x0], $0xffff  }
0x161: {  	v52 =	vld.idx.msk [tilespmem:v52+s14+$0x0], $0xffff;
	v1 =	vmul.f32 v56, v1;
	v2 =	vadd.f32 v2, v3;
	v3 =	vmul.f32 v59, v55  }
0x162: {  	v63 =	vld [tilespmem:$0x8460]  }
0x163: {  	v56 =	vld [tilespmem:$0x8470];
	v1 =	vadd.f32 v1, v2;
	v0 =	vmul.f32 v3, v0;
	v2 =	vmul.f32 v60, v54  }
0x164: {  	v3 =	vld.idx.msk [tilespmem:v50+s14+$0x0], $0xffff  }
0x165: {  	v49 =	vld.idx.msk [tilespmem:v49+s14+$0x0], $0xffff;
	v0 =	vadd.f32 v0, v1;
	v1 =	vmul.f32 v2, v61;
	v2 =	vmul.f32 v62, v53  }
0x166: {  	v57 =	vld [tilespmem:$0x8480]  }
0x167: {  	v47 =	vld.idx.msk [tilespmem:v47+s14+$0x0], $0xffff;
	v0 =	vadd.f32 v1, v0;
	v1 =	vmul.f32 v2, v58;
	v2 =	vmul.f32 v63, v52  }
0x168: {  	v58 =	vld [tilespmem:$0x8490]  }
0x169: {  	v59 =	vld [tilespmem:$0x84A0];
	v0 =	vadd.f32 v1, v0;
	v1 =	vmul.f32 v2, v51;
	v2 =	vmul.f32 v56, v3  }
0x16a: {  	v3 =	vld.idx.msk [tilespmem:v45+s14+$0x0], $0xffff  }
0x16b: {  	v43 =	vld.idx.msk [tilespmem:v43+s14+$0x0], $0xffff;
	v0 =	vadd.f32 v1, v0;
	v1 =	vmul.f32 v2, v48;
	v2 =	vmul.f32 v57, v49  }
0x16c: {  	v60 =	vld [tilespmem:$0x84B0]  }
0x16d: {  	v40 =	vld.idx.msk [tilespmem:v40+s14+$0x0], $0xffff;
	v0 =	vadd.f32 v1, v0;
	v1 =	vmul.f32 v2, v46;
	v2 =	vmul.f32 v58, v47  }
0x16e: {  	v61 =	vld [tilespmem:$0x84C0]  }
0x16f: {  	v62 =	vld [tilespmem:$0x84D0];
	v0 =	vadd.f32 v1, v0;
	v1 =	vmul.f32 v2, v44;
	v2 =	vmul.f32 v59, v3  }
0x170: {  	v3 =	vld.idx.msk [tilespmem:v38+s14+$0x0], $0xffff  }
0x171: {  	v36 =	vld.idx.msk [tilespmem:v36+s14+$0x0], $0xffff;
	v0 =	vadd.f32 v1, v0;
	v1 =	vmul.f32 v2, v42;
	v2 =	vmul.f32 v60, v43  }
0x172: {  	v63 =	vld [tilespmem:$0x84E0]  }
0x173: {  	v34 =	vld.idx.msk [tilespmem:v34+s14+$0x0], $0xffff;
	v0 =	vadd.f32 v1, v0;
	v1 =	vmul.f32 v2, v41;
	v2 =	vmul.f32 v61, v40  }
0x174: {  	v45 =	vld [tilespmem:$0x84F0]  }
0x175: {  	v46 =	vld [tilespmem:$0x8500];
	v0 =	vadd.f32 v1, v0;
	v1 =	vmul.f32 v2, v39;
	v2 =	vmul.f32 v62, v3  }
0x176: {  	v3 =	vld.idx.msk [tilespmem:v32+s14+$0x0], $0xffff  }
0x177: {  	v30 =	vld.idx.msk [tilespmem:v30+s14+$0x0], $0xffff;
	v0 =	vadd.f32 v1, v0;
	v1 =	vmul.f32 v2, v37;
	v2 =	vmul.f32 v63, v36  }
0x178: {  	v47 =	vld [tilespmem:$0x8510]  }
0x179: {  	v28 =	vld.idx.msk [tilespmem:v28+s14+$0x0], $0xffff;
	v0 =	vadd.f32 v1, v0;
	v1 =	vmul.f32 v2, v35;
	v2 =	vmul.f32 v45, v34  }
0x17a: {  	v48 =	vld [tilespmem:$0x8520]  }
0x17b: {  	v49 =	vld [tilespmem:$0x8530];
	v0 =	vadd.f32 v1, v0;
	v1 =	vmul.f32 v2, v33;
	v2 =	vmul.f32 v46, v3  }
0x17c: {  	v3 =	vld.idx.msk [tilespmem:v26+s14+$0x0], $0xffff  }
0x17d: {  	v24 =	vld.idx.msk [tilespmem:v24+s14+$0x0], $0xffff;
	v0 =	vadd.f32 v1, v0;
	v1 =	vmul.f32 v2, v31;
	v2 =	vmul.f32 v47, v30  }
0x17e: {  	v50 =	vld [tilespmem:$0x8540]  }
0x17f: {  	v22 =	vld.idx.msk [tilespmem:v22+s14+$0x0], $0xffff;
	v0 =	vadd.f32 v1, v0;
	v1 =	vmul.f32 v2, v29;
	v2 =	vmul.f32 v48, v28  }
0x180: {  	v51 =	vld [tilespmem:$0x8550]  }
0x181: {  	v52 =	vld [tilespmem:$0x8560];
	v0 =	vadd.f32 v1, v0;
	v1 =	vmul.f32 v2, v27;
	v2 =	vmul.f32 v49, v3  }
0x182: {  	v3 =	vld.idx.msk [tilespmem:v20+s14+$0x0], $0xffff  }
0x183: {  	v18 =	vld.idx.msk [tilespmem:v18+s14+$0x0], $0xffff;
	v0 =	vadd.f32 v1, v0;
	v1 =	vmul.f32 v2, v25;
	v2 =	vmul.f32 v50, v24  }
0x184: {  	v53 =	vld [tilespmem:$0x8570]  }
0x185: {  	v16 =	vld.idx.msk [tilespmem:v16+s14+$0x0], $0xffff;
	v0 =	vadd.f32 v1, v0;
	v1 =	vmul.f32 v2, v23;
	v2 =	vmul.f32 v51, v22  }
0x186: {  	v54 =	vld [tilespmem:$0x8580]  }
0x187: {  	v55 =	vld [tilespmem:$0x8590];
	v0 =	vadd.f32 v1, v0;
	v1 =	vmul.f32 v2, v21;
	v2 =	vmul.f32 v52, v3  }
0x188: {  	v3 =	vld.idx.msk [tilespmem:v14+s14+$0x0], $0xffff  }
0x189: {  	v13 =	vld.idx.msk [tilespmem:v13+s14+$0x0], $0xffff;
	v0 =	vadd.f32 v1, v0;
	v1 =	vmul.f32 v2, v19;
	v2 =	vmul.f32 v53, v18  }
0x18a: {  	v56 =	vld [tilespmem:$0x85A0]  }
0x18b: {  	v11 =	vld.idx.msk [tilespmem:v11+s14+$0x0], $0xffff;
	v0 =	vadd.f32 v1, v0;
	v1 =	vmul.f32 v2, v17;
	v2 =	vmul.f32 v54, v16  }
0x18c: {  	v57 =	vld [tilespmem:$0x85B0]  }
0x18d: {  	v58 =	vld [tilespmem:$0x85C0];
	v0 =	vadd.f32 v1, v0;
	v1 =	vmul.f32 v2, v15;
	v2 =	vmul.f32 v55, v3  }
0x18e: {  	v3 =	vld.idx.msk [tilespmem:v9+s14+$0x0], $0xffff  }
0x18f: {  	v0 =	vadd.f32 v1, v0;
	v1 =	vmul.f32 v2, v12;
	v2 =	vmul.f32 v56, v13;
	_ =	sdelay $0x1  }
0x190: {  	v0 =	vadd.f32 v1, v0;
	v1 =	vmul.f32 v2, v10;
	v2 =	vmul.f32 v57, v11;
	_ =	sdelay $0x1  }
0x191: {  	v0 =	vadd.f32 v1, v0;
	v1 =	vmul.f32 v2, v8;
	v2 =	vmul.f32 v58, v3  }
0x192: {  	v6 =	vld.idx.msk [tilespmem:v6+s14+$0x0], $0xffff  }
0x193: {  	v60 =	vld [tilespmem:$0x85D0];
	v0 =	vadd.f32 v1, v0;
	v1 =	vmul.f32 v2, v5;
	_ =	sdelay $0x1  }
0x194: {  	v0 =	vadd.f32 v1, v0;
	v1 =	vld [tilespmem:$0x1FFE0]  }
0x195: {  	v59 =	vor.u32 $0x1F, v7;
	_ =	sdelay $0x1  }
0x196: {  	v4 =	vld.idx.msk [tilespmem:v4+s14+$0x0], $0xffff;
	v2 =	vmul.f32 v60, v6  }
0x197: {  	v61 =	vld [tilespmem:$0x85E0]  }
0x198: {  	v62 =	vld [tilespmem:$0x85F0];
	v1 =	vmul.f32 v2, v1  }
0x199: {  	v3 =	vld.idx.msk [tilespmem:v59+s14+$0x0], $0xffff  }
0x19a: {  	v0 =	vadd.f32 v1, v0;
	v1 =	vld [tilespmem:$0x1FFD0];
	_ =	sdelay $0x1  }
0x19b: {  	v63 =	vld.idx.msk [tilespmem:v59+s15+$0x0], $0xffff  }
0x19c: {  	v2 =	vmul.f32 v61, v4;
	_ =	sdelay $0x1  }
0x19d: {  	v1 =	vmul.f32 v2, v1;
	v2 =	vmul.f32 v62, v3;
	_ =	sdelay $0x1  }
0x19e: {  	v0 =	vadd.f32 v1, v0;
	v1 =	vmul.f32 v2, v63;
	_ =	sdelay $0x1  }
0x19f: {  	v0 =	vadd.f32 v1, v0;
	_ =	sdelay $0x1  }
0x1a0: {  	v0 =	vsub.f32 $0.0e+00, v0;
	_ =	sdelay $0x1  }
0x1a1: {  	v0 =	vmul.f32 $1.442695020e+00, v0;
	_ =	sdelay $0x1  }
0x1a2: {  	(erf) = vpow2.f32 v0;
	_ =	sdelay $0x8  }
0x1a3: {  	v0 =	vpop (erf)  }
0x1a4: {  	v0 =	vadd.f32 $1.000000000e+00, v0;
	_ =	sdelay $0x1  }
0x1a5: {  	(erf) = vrcp.f32 v0;
	_ =	sdelay $0x7  }
0x1a6: {  	s30 =	sadd.s32 $0x1, s30  }
0x1a7: {  	s0 =	sadd.s32 $0x10, s31;
	p0 =	sne.s32 s30, s9;
	v0 =	vpop (erf)  }
.Ltmp1:
0x1a8: {  	[tilespmem:s0+$0x0] =	vst v0;
	(pc) =	sbr.rel @p0 .LBB2_1-.Ltmp1, $4  }
0x1a9: {  	[hbm4b:s8+s1] =	stream.linear.scatter [tilespmem:s29], [sflag:$0x2], $0x200, $0x38;
	[tilespmem:$0x8810] =	vst v63  }
0x1aa: {  	_ =	swait.ge [sflag:s10], $0x200  }
0x1ab: {  	[sflag:s10] =	ssyncset.done $0x0  }
0x1ac: {  	v0 =	vld [tilespmem:$0x1FFF0];
	[sflag:s10] =	ssyncadd.s32 $0xFFFFFE00  }
0x1ad: {  	_ =	sfence.sel $0x180000  }
0x1ae: {  	[bflag:$0x0] =	sbarrier.arrive $0xFFFF  }
0x1af: {  	_ =	strace $0x90000047  }
0x1b0: {  	[bflag:$0x2] =	sbarrier.arrive $0xFFFF  }
0x1b1: {  	p0 =	sne.s32 s2, $0x0;
	s0 =	rddreg [dreg:$0x4]  }
0x1b2: {  	s0 =	sadd.s32 @!p0 $0x100000, s0  }
0x1b3: {  	[sflag:s0] =	ssyncadd.tile.s32 @!p0 $0x1;
	_ =	shalt  }
.Lfunc_end2:
_tile_overlayer_lowered:
.L_overlay_start_2:
0x1b4: {  	(tag) =	ssettag $0x2  }
0x1b5: {  	s0 =	rddreg [dreg:$0x0];
	s2 =	stileid.u32  }
0x1b6: {  	s1 =	rddreg [dreg:$0x1];
	p0 =	sne.s32 s2, $0x0  }
0x1b7: {  	s3 =	rddreg [dreg:$0x2];
	[bflag:$0x3] =	sbarrier.arrive $0xFFFF;
	s2 =	simm.s32 @!p0 $0x1C02  }
0x1b8: {  	[timem:s3], [sflag:s2] =	dma.local @!p0 [hbm:s0], s1  }
0x1b9: {  	s0 =	simm.s32 @!p0 $0x2  }
0x1ba: {  	_ =	swait.ge @!p0 [sflag:s0], s1  }
0x1bb: {  	s1 =	ssub.s32 @!p0 $0x0, s1;
	[sflag:s0] =	ssyncset.done @!p0 $0x0  }
0x1bc: {  	[sflag:s0] =	ssyncadd.s32 @!p0 s1  }
0x1bd: {  	[bflag:$0x3] =	sbarrier.arrive $0xFFFF  }
0x1be: {  	_ =	shalt  }

</sc_bundles>
